<compile_context>
chip_gen: v7x
topology: tpu7x:2x2x1
jax: 0.10.2.dev20260603
libtpu: 0.0.44.dev20260713+nightly
codegen_flags: <defaults>
</compile_context>

<pallas_src>
import functools

import jax
import jax.numpy as jnp
from jax import lax
from jax.experimental import pallas as pl
from jax.experimental.pallas import tpu as pltpu
from jax.experimental.pallas import tpu_sc as plsc

NC, NS = 2, 16
NW = NC * NS
CHUNK = 80

_MESH = dict(core_axis_name="c", subcore_axis_name="s")


def _make_deg_kernel(E, NP):
    EPT = E // NW
    NITER = EPT // CHUNK
    PPT = NP // NS

    @functools.partial(
        pl.kernel,
        out_type=jax.ShapeDtypeStruct((NC, NP), jnp.float32),
        mesh=plsc.VectorSubcoreMesh(**_MESH),
        scratch_types=[
            pltpu.VMEM((CHUNK,), jnp.int32),
            pltpu.VMEM((CHUNK,), jnp.float32),
            pltpu.VMEM((PPT,), jnp.float32),
            pltpu.VMEM_SHARED((NP,), jnp.float32),
        ],
    )
    def deg_kernel(dst_hbm, out_hbm, idx_v, ones_v, buf_v, deg_sh):
        c = lax.axis_index("c")
        s = lax.axis_index("s")
        wid = s * NC + c

        one = jnp.full((16,), 1.0, jnp.float32)
        for j in range(CHUNK // 16):
            ones_v[pl.ds(j * 16, 16)] = one
        zero = jnp.zeros((16,), jnp.float32)

        def zbody(i, _):
            buf_v[pl.ds(i * 16, 16)] = zero
            return ()
        lax.fori_loop(0, PPT // 16, zbody, ())
        pltpu.sync_copy(buf_v, deg_sh.at[pl.ds(s * PPT, PPT)])
        plsc.subcore_barrier()

        base = wid * EPT

        def body(i, _):
            pltpu.sync_copy(dst_hbm.at[pl.ds(base + i * CHUNK, CHUNK)], idx_v)
            pltpu.sync_copy(ones_v, deg_sh.at[idx_v], add=True)
            return ()
        lax.fori_loop(0, NITER, body, ())
        plsc.subcore_barrier()

        pltpu.sync_copy(deg_sh.at[pl.ds(s * PPT, PPT)], buf_v)
        pltpu.sync_copy(buf_v, out_hbm.at[c, pl.ds(s * PPT, PPT)])

    return deg_kernel


def _make_msg_kernel(E, N, D, NR):
    EPT = E // NW
    NITER = EPT // CHUNK
    RPT = NR // NS

    @functools.partial(
        pl.kernel,
        out_type=jax.ShapeDtypeStruct((NC, NR, D), jnp.float32),
        mesh=plsc.VectorSubcoreMesh(**_MESH),
        scratch_types=[
            pltpu.VMEM((CHUNK,), jnp.int32),
            pltpu.VMEM((CHUNK,), jnp.int32),
            pltpu.VMEM((CHUNK, D), jnp.float32),
            pltpu.VMEM_SHARED((NR, D), jnp.float32),
            pltpu.SemaphoreType.DMA,
        ],
    )
    def msg_kernel(src_hbm, dst_hbm, y_hbm, zeros_hbm, out_hbm,
                   sidx_v, didx_v, rows_v, s_sh, sem):
        c = lax.axis_index("c")
        s = lax.axis_index("s")
        wid = s * NC + c

        pltpu.sync_copy(zeros_hbm, s_sh.at[pl.ds(s * RPT, RPT)])
        plsc.subcore_barrier()

        base = wid * EPT

        def body(i, _):
            off = base + i * CHUNK
            pltpu.sync_copy(src_hbm.at[pl.ds(off, CHUNK)], sidx_v)
            pltpu.sync_copy(dst_hbm.at[pl.ds(off, CHUNK)], didx_v)
            pltpu.async_copy(y_hbm.at[sidx_v], rows_v, sem).wait()
            pltpu.sync_copy(rows_v, s_sh.at[didx_v], add=True)
            return ()
        lax.fori_loop(0, NITER, body, ())
        plsc.subcore_barrier()

        pltpu.sync_copy(s_sh.at[pl.ds(s * RPT, RPT)],
                        out_hbm.at[c, pl.ds(s * RPT, RPT)])

    return msg_kernel


def _scale_body(x_ref, wg_ref, dp0_ref, dp1_ref, y_ref, dinv_ref):
    deg = dp0_ref[...] + dp1_ref[...] + 1.0
    dinv = lax.rsqrt(deg)
    dinv_ref[...] = dinv
    xw = jnp.dot(x_ref[...], wg_ref[...], preferred_element_type=jnp.float32)
    y_ref[...] = xw * dinv


def _final_body(s_ref, y_ref, dinv_ref, x_ref, bg_ref,
                w1_ref, b1_ref, w2_ref, b2_ref, w3_ref, b3_ref, out_ref):
    n = y_ref.shape[0]
    agg = (dinv_ref[...] * (s_ref[0, :n] + s_ref[1, :n] + y_ref[...])
           + bg_ref[...])
    h = jnp.sum(jnp.maximum(agg, 0.0) + x_ref[...], axis=0, keepdims=True)
    h = jnp.maximum(
        jnp.dot(h, w1_ref[...], preferred_element_type=jnp.float32)
        + b1_ref[...], 0.0)
    h = jnp.maximum(
        jnp.dot(h, w2_ref[...], preferred_element_type=jnp.float32)
        + b2_ref[...], 0.0)
    out_ref[...] = (
        jnp.dot(h, w3_ref[...], preferred_element_type=jnp.float32)
        + b3_ref[...])


def kernel(x, edge_index, Wg, bg, W1, b1, W2, b2, W3, b3):
    N, D = x.shape
    E = edge_index.shape[1]
    NP = ((N + NS * 16 - 1) // (NS * 16)) * (NS * 16)

    src = edge_index[0]
    dst = edge_index[1]

    dp = _make_deg_kernel(E, NP)(dst)

    y, dinv = pl.pallas_call(
        _scale_body,
        out_shape=(
            jax.ShapeDtypeStruct((N, D), jnp.float32),
            jax.ShapeDtypeStruct((N, 1), jnp.float32),
        ),
    )(x, Wg, dp[0, :N, None], dp[1, :N, None])

    zeros = jnp.zeros((NP // NS, D), jnp.float32)
    S = _make_msg_kernel(E, N, D, NP)(src, dst, y, zeros)

    value = pl.pallas_call(
        _final_body,
        out_shape=jax.ShapeDtypeStruct((1, 1), jnp.float32),
    )(S, y, dinv, x, bg.reshape(1, D),
      W1, b1.reshape(1, -1), W2, b2.reshape(1, -1), W3, b3.reshape(1, -1))

    return value.reshape(1)

# --- scband reference (transcript-rebuilt; emitter-appended) ---
"""Pipeline reference for scband-critic-network-49546742726783 (READ-ONLY COPY).

The authoritative reference and input builder live on the scoring server;
editing this copy changes nothing except your own understanding.
"""

import jax, jax.numpy as jnp
import numpy as np

N, D, E = 10000, 128, 320000

def setup_inputs(seed: int = 0) -> dict:
    key = jax.random.key(seed)
    ks = jax.random.split(key, 12)
    x = jax.random.normal(ks[0], (N, D), dtype=jnp.float32)
    edge_index = jax.random.randint(ks[1], (2, E), 0, N, dtype=jnp.int32)
    # GCNConv(state_dim, state_dim) weight + bias
    Wg = jax.random.normal(ks[2], (D, D), dtype=jnp.float32) / np.sqrt(D)
    bg = jnp.zeros((D,), dtype=jnp.float32)
    # lin1: D -> 32, lin2: 32 -> 32, lin3: 32 -> 1
    W1 = jax.random.normal(ks[3], (D, 32), dtype=jnp.float32) / np.sqrt(D)
    b1 = jnp.zeros((32,), dtype=jnp.float32)
    W2 = jax.random.normal(ks[4], (32, 32), dtype=jnp.float32) / np.sqrt(32)
    b2 = jnp.zeros((32,), dtype=jnp.float32)
    W3 = jax.random.normal(ks[5], (32, 1), dtype=jnp.float32) / np.sqrt(32)
    b3 = jnp.zeros((1,), dtype=jnp.float32)
    return {"x": x, "edge_index": edge_index, "Wg": Wg, "bg": bg,
            "W1": W1, "b1": b1, "W2": W2, "b2": b2, "W3": W3, "b3": b3}


def reference(x, edge_index, Wg, bg, W1, b1, W2, b2, W3, b3):
    n = x.shape[0]
    # GCNConv with self-loops and symmetric normalization: D^-1/2 (A+I) D^-1/2 X W + b
    loops = jnp.arange(n, dtype=edge_index.dtype)
    src = jnp.concatenate([edge_index[0], loops])
    dst = jnp.concatenate([edge_index[1], loops])
    deg = jnp.zeros((n,), dtype=x.dtype).at[dst].add(1.0)
    dinv = jax.lax.rsqrt(deg)  # deg >= 1 because of self-loops
    norm = dinv[src] * dinv[dst]
    xw = x @ Wg
    msgs = xw[src] * norm[:, None]          # gather (memory-bound)
    agg = jnp.zeros_like(x).at[dst].add(msgs) + bg  # scatter-add (memory-bound)
    out = jax.nn.relu(agg)
    h = out + x
    h = jnp.sum(h, axis=0)                  # [D]
    h = jax.nn.relu(h @ W1 + b1)
    h = jax.nn.relu(h @ W2 + b2)
    value = h @ W3 + b3                     # [1]
    return value

if __name__ == "__main__":
    import jax
    _d = setup_inputs()
    print(jax.jit(kernel)(*tuple(_d.values())))

</pallas_src>

<mosaic_0001>
#map = affine_map<(d0, d1) -> (0)>
#map1 = affine_map<(d0, d1) -> (0, 0)>
module attributes {stable_mosaic.version = 14 : i64} {
  func.func @deg_kernel(%arg0: i32, %arg1: i32, %arg2: memref<320000xi32, #tpu.memory_space<hbm>>, %arg3: memref<2x10240xf32, #tpu.memory_space<hbm>>, %arg4: memref<80xi32, #tpu.memory_space<vmem>>, %arg5: memref<80xf32, #tpu.memory_space<vmem>>, %arg6: memref<640xf32, #tpu.memory_space<vmem>>, %arg7: memref<10240xf32, #tpu.memory_space<vmem_shared>>) attributes {dimension_semantics = [#tpu.dimension_semantics<core_parallel>, #tpu.dimension_semantics<subcore_parallel>], iteration_bounds = array<i64: 2, 16>, scalar_prefetch = 0 : i64, scratch_operands = 4 : i64, tpu.core_type = #tpu.core_type<sc_vector_subcore>, window_params = [{transform_indices = #map}, {transform_indices = #map1}]} {
    %mul3A = arith.constant 2 : i32
    %mul3A_0 = arith.muli %arg1, %mul3A : i32
    %add3A = arith.addi %mul3A_0, %arg0 : i32
    %broadcast_in_dim3A = arith.constant 1.000000e+00 : f32
    %broadcast_in_dim3A_1 = vector.broadcast %broadcast_in_dim3A : f32 to vector<16xf32>
    %swap3A = arith.constant 0 : index
    %swap3A_2 = tpu.vector_load %arg5[%swap3A] {strides = array<i32>} : memref<80xf32, #tpu.memory_space<vmem>>, vector<16xf32>,
    %swap3A_3 = vector.shape_cast %swap3A_2 : vector<16xf32> to vector<16xf32>
    %swap3A_4 = vector.shape_cast %broadcast_in_dim3A_1 : vector<16xf32> to vector<16xf32>
    tpu.vector_store %arg5[%swap3A], %swap3A_4 {strides = array<i32>} : memref<80xf32, #tpu.memory_space<vmem>>, vector<16xf32>,
    %swap3A_5 = arith.constant 16 : index
    %swap3A_6 = tpu.vector_load %arg5[%swap3A_5] {strides = array<i32>} : memref<80xf32, #tpu.memory_space<vmem>>, vector<16xf32>,
    %swap3A_7 = vector.shape_cast %swap3A_6 : vector<16xf32> to vector<16xf32>
    %swap3A_8 = vector.shape_cast %broadcast_in_dim3A_1 : vector<16xf32> to vector<16xf32>
    tpu.vector_store %arg5[%swap3A_5], %swap3A_8 {strides = array<i32>} : memref<80xf32, #tpu.memory_space<vmem>>, vector<16xf32>,
    %swap3A_9 = arith.constant 32 : index
    %swap3A_10 = tpu.vector_load %arg5[%swap3A_9] {strides = array<i32>} : memref<80xf32, #tpu.memory_space<vmem>>, vector<16xf32>,
    %swap3A_11 = vector.shape_cast %swap3A_10 : vector<16xf32> to vector<16xf32>
    %swap3A_12 = vector.shape_cast %broadcast_in_dim3A_1 : vector<16xf32> to vector<16xf32>
    tpu.vector_store %arg5[%swap3A_9], %swap3A_12 {strides = array<i32>} : memref<80xf32, #tpu.memory_space<vmem>>, vector<16xf32>,
    %swap3A_13 = arith.constant 48 : index
    %swap3A_14 = tpu.vector_load %arg5[%swap3A_13] {strides = array<i32>} : memref<80xf32, #tpu.memory_space<vmem>>, vector<16xf32>,
    %swap3A_15 = vector.shape_cast %swap3A_14 : vector<16xf32> to vector<16xf32>
    %swap3A_16 = vector.shape_cast %broadcast_in_dim3A_1 : vector<16xf32> to vector<16xf32>
    tpu.vector_store %arg5[%swap3A_13], %swap3A_16 {strides = array<i32>} : memref<80xf32, #tpu.memory_space<vmem>>, vector<16xf32>,
    %swap3A_17 = arith.constant 64 : index
    %swap3A_18 = tpu.vector_load %arg5[%swap3A_17] {strides = array<i32>} : memref<80xf32, #tpu.memory_space<vmem>>, vector<16xf32>,
    %swap3A_19 = vector.shape_cast %swap3A_18 : vector<16xf32> to vector<16xf32>
    %swap3A_20 = vector.shape_cast %broadcast_in_dim3A_1 : vector<16xf32> to vector<16xf32>
    tpu.vector_store %arg5[%swap3A_17], %swap3A_20 {strides = array<i32>} : memref<80xf32, #tpu.memory_space<vmem>>, vector<16xf32>,
    %broadcast_in_dim3A_21 = arith.constant 0.000000e+00 : f32
    %broadcast_in_dim3A_22 = vector.broadcast %broadcast_in_dim3A_21 : f32 to vector<16xf32>
    %scan3A = arith.constant 0 : i32
    %scan3A_23 = arith.constant 40 : i32
    %scan3A_24 = arith.addi %scan3A, %scan3A_23 : i32
    %scan3A_25 = arith.constant 1 : i32
    scf.for %scan3A_41 = %scan3A to %scan3A_24 step %scan3A_25  : i32 {
      %mul3A_42 = arith.constant 16 : i32
      %mul3A_43 = arith.muli %scan3A_41, %mul3A_42 : i32
      %swap3A_44 = arith.index_cast %mul3A_43 : i32 to index
      %swap3A_45 = tpu.vector_load %arg6[%swap3A_44] {strides = array<i32>} : memref<640xf32, #tpu.memory_space<vmem>>, vector<16xf32>,
      %swap3A_46 = vector.shape_cast %swap3A_45 : vector<16xf32> to vector<16xf32>
      %swap3A_47 = vector.shape_cast %broadcast_in_dim3A_22 : vector<16xf32> to vector<16xf32>
      tpu.vector_store %arg6[%swap3A_44], %swap3A_47 {strides = array<i32>} : memref<640xf32, #tpu.memory_space<vmem>>, vector<16xf32>,
    }
    %scan3A_26 = arith.constant 40 : i32
    %mul3A_27 = arith.constant 640 : i32
    %mul3A_28 = arith.muli %arg1, %mul3A_27 : i32
    "tpu.region"() ({
      %run_scoped3A = tpu.sem_alloc : memref<!tpu.dma_semaphore, #tpu.memory_space<semaphore_mem>>
      %dma_start3A = tpu.memref_slice %arg7[%mul3A_28] : memref<10240xf32, #tpu.memory_space<vmem_shared>> -> memref<640xf32, #tpu.memory_space<vmem_shared>>
      %dma_start3A_41 = tpu.memref_slice %arg7[%mul3A_28] : memref<10240xf32, #tpu.memory_space<vmem_shared>> -> memref<640xf32, #tpu.memory_space<vmem_shared>>
      tpu.enqueue_dma source(%arg6 : memref<640xf32, #tpu.memory_space<vmem>>) target(%dma_start3A_41 : memref<640xf32, #tpu.memory_space<vmem_shared>>) target_semaphore(%run_scoped3A : memref<!tpu.dma_semaphore, #tpu.memory_space<semaphore_mem>>)
      %dma_wait3A = tpu.memref_slice %arg7[%mul3A_28] : memref<10240xf32, #tpu.memory_space<vmem_shared>> -> memref<640xf32, #tpu.memory_space<vmem_shared>>
      %dma_wait3A_42 = tpu.memref_slice %arg7[%mul3A_28] : memref<10240xf32, #tpu.memory_space<vmem_shared>> -> memref<640xf32, #tpu.memory_space<vmem_shared>>
      tpu.wait_dma2 semaphore(%run_scoped3A : memref<!tpu.dma_semaphore, #tpu.memory_space<semaphore_mem>>) src(%arg6 : memref<640xf32, #tpu.memory_space<vmem>>) dst(%dma_wait3A_42 : memref<640xf32, #tpu.memory_space<vmem_shared>>)
      tpu.yield
    }) : () -> ()
    %barrier3A = arith.constant 0 : index
    tpu.barrier barrier_id(%barrier3A)
    %mul3A_29 = arith.constant 10000 : i32
    %mul3A_30 = arith.muli %add3A, %mul3A_29 : i32
    %scan3A_31 = arith.constant 0 : i32
    %scan3A_32 = arith.constant 125 : i32
    %scan3A_33 = arith.addi %scan3A_31, %scan3A_32 : i32
    %scan3A_34 = arith.constant 1 : i32
    scf.for %scan3A_41 = %scan3A_31 to %scan3A_33 step %scan3A_34  : i32 {
      %mul3A_42 = arith.constant 80 : i32
      %mul3A_43 = arith.muli %scan3A_41, %mul3A_42 : i32
      %add3A_44 = arith.addi %mul3A_30, %mul3A_43 : i32
      "tpu.region"() ({
        %run_scoped3A = tpu.sem_alloc : memref<!tpu.dma_semaphore, #tpu.memory_space<semaphore_mem>>
        %dma_start3A = tpu.memref_slice %arg2[%add3A_44] : memref<320000xi32, #tpu.memory_space<hbm>> -> memref<80xi32, #tpu.memory_space<hbm>>
        %dma_start3A_45 = tpu.memref_slice %arg2[%add3A_44] : memref<320000xi32, #tpu.memory_space<hbm>> -> memref<80xi32, #tpu.memory_space<hbm>>
        tpu.enqueue_dma source(%dma_start3A_45 : memref<80xi32, #tpu.memory_space<hbm>>) target(%arg4 : memref<80xi32, #tpu.memory_space<vmem>>) target_semaphore(%run_scoped3A : memref<!tpu.dma_semaphore, #tpu.memory_space<semaphore_mem>>)
        %dma_wait3A = tpu.memref_slice %arg2[%add3A_44] : memref<320000xi32, #tpu.memory_space<hbm>> -> memref<80xi32, #tpu.memory_space<hbm>>
        %dma_wait3A_46 = tpu.memref_slice %arg2[%add3A_44] : memref<320000xi32, #tpu.memory_space<hbm>> -> memref<80xi32, #tpu.memory_space<hbm>>
        tpu.wait_dma2 semaphore(%run_scoped3A : memref<!tpu.dma_semaphore, #tpu.memory_space<semaphore_mem>>) src(%dma_wait3A_46 : memref<80xi32, #tpu.memory_space<hbm>>) dst(%arg4 : memref<80xi32, #tpu.memory_space<vmem>>)
        tpu.yield
      }) : () -> ()
      "tpu.region"() ({
        %run_scoped3A = tpu.sem_alloc : memref<!tpu.dma_semaphore, #tpu.memory_space<semaphore_mem>>
        %dma_start3A = arith.constant 0 : i32
        %dma_start3A_45 = tpu.memref_slice %arg7[%dma_start3A] : memref<10240xf32, #tpu.memory_space<vmem_shared>> -> memref<10240xf32, #tpu.memory_space<vmem_shared>>
        tpu.enqueue_indirect_dma source(%arg5 : memref<80xf32, #tpu.memory_space<vmem>>) target(%dma_start3A_45 : memref<10240xf32, #tpu.memory_space<vmem_shared>>) offsets(%arg4 : memref<80xi32, #tpu.memory_space<vmem>>) semaphore(%run_scoped3A : memref<!tpu.dma_semaphore, #tpu.memory_space<semaphore_mem>>) {add = true}
        %dma_wait3A = arith.constant 0 : i32
        %dma_wait3A_46 = tpu.memref_slice %arg7[%dma_wait3A] : memref<10240xf32, #tpu.memory_space<vmem_shared>> -> memref<10240xf32, #tpu.memory_space<vmem_shared>>
        tpu.wait_indirect_dma semaphore(%run_scoped3A : memref<!tpu.dma_semaphore, #tpu.memory_space<semaphore_mem>>) src(%arg5 : memref<80xf32, #tpu.memory_space<vmem>>) dst(%dma_wait3A_46 : memref<10240xf32, #tpu.memory_space<vmem_shared>>)
        tpu.yield
      }) : () -> ()
    }
    %scan3A_35 = arith.constant 125 : i32
    %barrier3A_36 = arith.constant 0 : index
    tpu.barrier barrier_id(%barrier3A_36)
    %mul3A_37 = arith.constant 640 : i32
    %mul3A_38 = arith.muli %arg1, %mul3A_37 : i32
    "tpu.region"() ({
      %run_scoped3A = tpu.sem_alloc : memref<!tpu.dma_semaphore, #tpu.memory_space<semaphore_mem>>
      %dma_start3A = tpu.memref_slice %arg7[%mul3A_38] : memref<10240xf32, #tpu.memory_space<vmem_shared>> -> memref<640xf32, #tpu.memory_space<vmem_shared>>
      %dma_start3A_41 = tpu.memref_slice %arg7[%mul3A_38] : memref<10240xf32, #tpu.memory_space<vmem_shared>> -> memref<640xf32, #tpu.memory_space<vmem_shared>>
      tpu.enqueue_dma source(%dma_start3A_41 : memref<640xf32, #tpu.memory_space<vmem_shared>>) target(%arg6 : memref<640xf32, #tpu.memory_space<vmem>>) target_semaphore(%run_scoped3A : memref<!tpu.dma_semaphore, #tpu.memory_space<semaphore_mem>>)
      %dma_wait3A = tpu.memref_slice %arg7[%mul3A_38] : memref<10240xf32, #tpu.memory_space<vmem_shared>> -> memref<640xf32, #tpu.memory_space<vmem_shared>>
      %dma_wait3A_42 = tpu.memref_slice %arg7[%mul3A_38] : memref<10240xf32, #tpu.memory_space<vmem_shared>> -> memref<640xf32, #tpu.memory_space<vmem_shared>>
      tpu.wait_dma2 semaphore(%run_scoped3A : memref<!tpu.dma_semaphore, #tpu.memory_space<semaphore_mem>>) src(%dma_wait3A_42 : memref<640xf32, #tpu.memory_space<vmem_shared>>) dst(%arg6 : memref<640xf32, #tpu.memory_space<vmem>>)
      tpu.yield
    }) : () -> ()
    %mul3A_39 = arith.constant 640 : i32
    %mul3A_40 = arith.muli %arg1, %mul3A_39 : i32
    "tpu.region"() ({
      %run_scoped3A = tpu.sem_alloc : memref<!tpu.dma_semaphore, #tpu.memory_space<semaphore_mem>>
      %dma_start3A = tpu.memref_slice %arg3[%arg0, %mul3A_40] : memref<2x10240xf32, #tpu.memory_space<hbm>> -> memref<1x640xf32, #tpu.memory_space<hbm>>
      %dma_start3A_41 = tpu.memref_squeeze %dma_start3A : memref<1x640xf32, #tpu.memory_space<hbm>> -> memref<640xf32, #tpu.memory_space<hbm>>
      %dma_start3A_42 = tpu.memref_slice %arg3[%arg0, %mul3A_40] : memref<2x10240xf32, #tpu.memory_space<hbm>> -> memref<1x640xf32, #tpu.memory_space<hbm>>
      %dma_start3A_43 = tpu.memref_squeeze %dma_start3A_42 : memref<1x640xf32, #tpu.memory_space<hbm>> -> memref<640xf32, #tpu.memory_space<hbm>>
      tpu.enqueue_dma source(%arg6 : memref<640xf32, #tpu.memory_space<vmem>>) target(%dma_start3A_43 : memref<640xf32, #tpu.memory_space<hbm>>) target_semaphore(%run_scoped3A : memref<!tpu.dma_semaphore, #tpu.memory_space<semaphore_mem>>)
      %dma_wait3A = tpu.memref_slice %arg3[%arg0, %mul3A_40] : memref<2x10240xf32, #tpu.memory_space<hbm>> -> memref<1x640xf32, #tpu.memory_space<hbm>>
      %dma_wait3A_44 = tpu.memref_squeeze %dma_wait3A : memref<1x640xf32, #tpu.memory_space<hbm>> -> memref<640xf32, #tpu.memory_space<hbm>>
      %dma_wait3A_45 = tpu.memref_slice %arg3[%arg0, %mul3A_40] : memref<2x10240xf32, #tpu.memory_space<hbm>> -> memref<1x640xf32, #tpu.memory_space<hbm>>
      %dma_wait3A_46 = tpu.memref_squeeze %dma_wait3A_45 : memref<1x640xf32, #tpu.memory_space<hbm>> -> memref<640xf32, #tpu.memory_space<hbm>>
      tpu.wait_dma2 semaphore(%run_scoped3A : memref<!tpu.dma_semaphore, #tpu.memory_space<semaphore_mem>>) src(%arg6 : memref<640xf32, #tpu.memory_space<vmem>>) dst(%dma_wait3A_46 : memref<640xf32, #tpu.memory_space<hbm>>)
      tpu.yield
    }) : () -> ()
    return
  }
}

#map = affine_map<(d0, d1) -> (0)>
#map1 = affine_map<(d0, d1) -> (0, 0)>
#map2 = affine_map<(d0, d1) -> (0, 0, 0)>
module attributes {stable_mosaic.version = 14 : i64} {
  func.func @msg_kernel(%arg0: i32, %arg1: i32, %arg2: memref<320000xi32, #tpu.memory_space<hbm>>, %arg3: memref<320000xi32, #tpu.memory_space<hbm>>, %arg4: memref<10000x128xf32, #tpu.memory_space<hbm>>, %arg5: memref<640x128xf32, #tpu.memory_space<hbm>>, %arg6: memref<2x10240x128xf32, #tpu.memory_space<hbm>>, %arg7: memref<80xi32, #tpu.memory_space<vmem>>, %arg8: memref<80xi32, #tpu.memory_space<vmem>>, %arg9: memref<80x128xf32, #tpu.memory_space<vmem>>, %arg10: memref<10240x128xf32, #tpu.memory_space<vmem_shared>>, %arg11: memref<!tpu.dma_semaphore, #tpu.memory_space<semaphore_mem>>) attributes {dimension_semantics = [#tpu.dimension_semantics<core_parallel>, #tpu.dimension_semantics<subcore_parallel>], iteration_bounds = array<i64: 2, 16>, scalar_prefetch = 0 : i64, scratch_operands = 5 : i64, tpu.core_type = #tpu.core_type<sc_vector_subcore>, window_params = [{transform_indices = #map}, {transform_indices = #map}, {transform_indices = #map1}, {transform_indices = #map1}, {transform_indices = #map2}]} {
    %mul3A = arith.constant 2 : i32
    %mul3A_0 = arith.muli %arg1, %mul3A : i32
    %add3A = arith.addi %mul3A_0, %arg0 : i32
    %mul3A_1 = arith.constant 640 : i32
    %mul3A_2 = arith.muli %arg1, %mul3A_1 : i32
    "tpu.region"() ({
      %run_scoped3A = tpu.sem_alloc : memref<!tpu.dma_semaphore, #tpu.memory_space<semaphore_mem>>
      %dma_start3A = arith.constant 0 : i32
      %dma_start3A_14 = tpu.memref_slice %arg10[%mul3A_2, %dma_start3A] : memref<10240x128xf32, #tpu.memory_space<vmem_shared>> -> memref<640x128xf32, #tpu.memory_space<vmem_shared>>
      tpu.enqueue_dma source(%arg5 : memref<640x128xf32, #tpu.memory_space<hbm>>) target(%dma_start3A_14 : memref<640x128xf32, #tpu.memory_space<vmem_shared>>) target_semaphore(%run_scoped3A : memref<!tpu.dma_semaphore, #tpu.memory_space<semaphore_mem>>)
      %dma_wait3A = arith.constant 0 : i32
      %dma_wait3A_15 = tpu.memref_slice %arg10[%mul3A_2, %dma_wait3A] : memref<10240x128xf32, #tpu.memory_space<vmem_shared>> -> memref<640x128xf32, #tpu.memory_space<vmem_shared>>
      tpu.wait_dma2 semaphore(%run_scoped3A : memref<!tpu.dma_semaphore, #tpu.memory_space<semaphore_mem>>) src(%arg5 : memref<640x128xf32, #tpu.memory_space<hbm>>) dst(%dma_wait3A_15 : memref<640x128xf32, #tpu.memory_space<vmem_shared>>)
      tpu.yield
    }) : () -> ()
    %barrier3A = arith.constant 0 : index
    tpu.barrier barrier_id(%barrier3A)
    %mul3A_3 = arith.constant 10000 : i32
    %mul3A_4 = arith.muli %add3A, %mul3A_3 : i32
    %scan3A = arith.constant 0 : i32
    %scan3A_5 = arith.constant 125 : i32
    %scan3A_6 = arith.addi %scan3A, %scan3A_5 : i32
    %scan3A_7 = arith.constant 1 : i32
    scf.for %scan3A_14 = %scan3A to %scan3A_6 step %scan3A_7  : i32 {
      %mul3A_15 = arith.constant 80 : i32
      %mul3A_16 = arith.muli %scan3A_14, %mul3A_15 : i32
      %add3A_17 = arith.addi %mul3A_4, %mul3A_16 : i32
      "tpu.region"() ({
        %run_scoped3A = tpu.sem_alloc : memref<!tpu.dma_semaphore, #tpu.memory_space<semaphore_mem>>
        %dma_start3A_22 = tpu.memref_slice %arg2[%add3A_17] : memref<320000xi32, #tpu.memory_space<hbm>> -> memref<80xi32, #tpu.memory_space<hbm>>
        %dma_start3A_23 = tpu.memref_slice %arg2[%add3A_17] : memref<320000xi32, #tpu.memory_space<hbm>> -> memref<80xi32, #tpu.memory_space<hbm>>
        tpu.enqueue_dma source(%dma_start3A_23 : memref<80xi32, #tpu.memory_space<hbm>>) target(%arg7 : memref<80xi32, #tpu.memory_space<vmem>>) target_semaphore(%run_scoped3A : memref<!tpu.dma_semaphore, #tpu.memory_space<semaphore_mem>>)
        %dma_wait3A_24 = tpu.memref_slice %arg2[%add3A_17] : memref<320000xi32, #tpu.memory_space<hbm>> -> memref<80xi32, #tpu.memory_space<hbm>>
        %dma_wait3A_25 = tpu.memref_slice %arg2[%add3A_17] : memref<320000xi32, #tpu.memory_space<hbm>> -> memref<80xi32, #tpu.memory_space<hbm>>
        tpu.wait_dma2 semaphore(%run_scoped3A : memref<!tpu.dma_semaphore, #tpu.memory_space<semaphore_mem>>) src(%dma_wait3A_25 : memref<80xi32, #tpu.memory_space<hbm>>) dst(%arg7 : memref<80xi32, #tpu.memory_space<vmem>>)
        tpu.yield
      }) : () -> ()
      "tpu.region"() ({
        %run_scoped3A = tpu.sem_alloc : memref<!tpu.dma_semaphore, #tpu.memory_space<semaphore_mem>>
        %dma_start3A_22 = tpu.memref_slice %arg3[%add3A_17] : memref<320000xi32, #tpu.memory_space<hbm>> -> memref<80xi32, #tpu.memory_space<hbm>>
        %dma_start3A_23 = tpu.memref_slice %arg3[%add3A_17] : memref<320000xi32, #tpu.memory_space<hbm>> -> memref<80xi32, #tpu.memory_space<hbm>>
        tpu.enqueue_dma source(%dma_start3A_23 : memref<80xi32, #tpu.memory_space<hbm>>) target(%arg8 : memref<80xi32, #tpu.memory_space<vmem>>) target_semaphore(%run_scoped3A : memref<!tpu.dma_semaphore, #tpu.memory_space<semaphore_mem>>)
        %dma_wait3A_24 = tpu.memref_slice %arg3[%add3A_17] : memref<320000xi32, #tpu.memory_space<hbm>> -> memref<80xi32, #tpu.memory_space<hbm>>
        %dma_wait3A_25 = tpu.memref_slice %arg3[%add3A_17] : memref<320000xi32, #tpu.memory_space<hbm>> -> memref<80xi32, #tpu.memory_space<hbm>>
        tpu.wait_dma2 semaphore(%run_scoped3A : memref<!tpu.dma_semaphore, #tpu.memory_space<semaphore_mem>>) src(%dma_wait3A_25 : memref<80xi32, #tpu.memory_space<hbm>>) dst(%arg8 : memref<80xi32, #tpu.memory_space<vmem>>)
        tpu.yield
      }) : () -> ()
      %dma_start3A = arith.constant 0 : i32
      %dma_start3A_18 = arith.constant 0 : i32
      %dma_start3A_19 = tpu.memref_slice %arg4[%dma_start3A, %dma_start3A_18] : memref<10000x128xf32, #tpu.memory_space<hbm>> -> memref<10000x128xf32, #tpu.memory_space<hbm>>
      tpu.enqueue_indirect_dma source(%dma_start3A_19 : memref<10000x128xf32, #tpu.memory_space<hbm>>) target(%arg9 : memref<80x128xf32, #tpu.memory_space<vmem>>) offsets(%arg7 : memref<80xi32, #tpu.memory_space<vmem>>) semaphore(%arg11 : memref<!tpu.dma_semaphore, #tpu.memory_space<semaphore_mem>>)
      %dma_wait3A = arith.constant 0 : i32
      %dma_wait3A_20 = arith.constant 0 : i32
      %dma_wait3A_21 = tpu.memref_slice %arg4[%dma_wait3A, %dma_wait3A_20] : memref<10000x128xf32, #tpu.memory_space<hbm>> -> memref<10000x128xf32, #tpu.memory_space<hbm>>
      tpu.wait_indirect_dma semaphore(%arg11 : memref<!tpu.dma_semaphore, #tpu.memory_space<semaphore_mem>>) src(%dma_wait3A_21 : memref<10000x128xf32, #tpu.memory_space<hbm>>) dst(%arg9 : memref<80x128xf32, #tpu.memory_space<vmem>>)
      "tpu.region"() ({
        %run_scoped3A = tpu.sem_alloc : memref<!tpu.dma_semaphore, #tpu.memory_space<semaphore_mem>>
        %dma_start3A_22 = arith.constant 0 : i32
        %dma_start3A_23 = arith.constant 0 : i32
        %dma_start3A_24 = tpu.memref_slice %arg10[%dma_start3A_22, %dma_start3A_23] : memref<10240x128xf32, #tpu.memory_space<vmem_shared>> -> memref<10240x128xf32, #tpu.memory_space<vmem_shared>>
        tpu.enqueue_indirect_dma source(%arg9 : memref<80x128xf32, #tpu.memory_space<vmem>>) target(%dma_start3A_24 : memref<10240x128xf32, #tpu.memory_space<vmem_shared>>) offsets(%arg8 : memref<80xi32, #tpu.memory_space<vmem>>) semaphore(%run_scoped3A : memref<!tpu.dma_semaphore, #tpu.memory_space<semaphore_mem>>) {add = true}
        %dma_wait3A_25 = arith.constant 0 : i32
        %dma_wait3A_26 = arith.constant 0 : i32
        %dma_wait3A_27 = tpu.memref_slice %arg10[%dma_wait3A_25, %dma_wait3A_26] : memref<10240x128xf32, #tpu.memory_space<vmem_shared>> -> memref<10240x128xf32, #tpu.memory_space<vmem_shared>>
        tpu.wait_indirect_dma semaphore(%run_scoped3A : memref<!tpu.dma_semaphore, #tpu.memory_space<semaphore_mem>>) src(%arg9 : memref<80x128xf32, #tpu.memory_space<vmem>>) dst(%dma_wait3A_27 : memref<10240x128xf32, #tpu.memory_space<vmem_shared>>)
        tpu.yield
      }) : () -> ()
    }
    %scan3A_8 = arith.constant 125 : i32
    %barrier3A_9 = arith.constant 0 : index
    tpu.barrier barrier_id(%barrier3A_9)
    %mul3A_10 = arith.constant 640 : i32
    %mul3A_11 = arith.muli %arg1, %mul3A_10 : i32
    %mul3A_12 = arith.constant 640 : i32
    %mul3A_13 = arith.muli %arg1, %mul3A_12 : i32
    "tpu.region"() ({
      %run_scoped3A = tpu.sem_alloc : memref<!tpu.dma_semaphore, #tpu.memory_space<semaphore_mem>>
      %dma_start3A = arith.constant 0 : i32
      %dma_start3A_14 = tpu.memref_slice %arg6[%arg0, %mul3A_13, %dma_start3A] : memref<2x10240x128xf32, #tpu.memory_space<hbm>> -> memref<1x640x128xf32, #tpu.memory_space<hbm>>
      %dma_start3A_15 = tpu.memref_squeeze %dma_start3A_14 : memref<1x640x128xf32, #tpu.memory_space<hbm>> -> memref<640x128xf32, #tpu.memory_space<hbm>>
      %dma_start3A_16 = arith.constant 0 : i32
      %dma_start3A_17 = tpu.memref_slice %arg10[%mul3A_11, %dma_start3A_16] : memref<10240x128xf32, #tpu.memory_space<vmem_shared>> -> memref<640x128xf32, #tpu.memory_space<vmem_shared>>
      tpu.enqueue_dma source(%dma_start3A_17 : memref<640x128xf32, #tpu.memory_space<vmem_shared>>) target(%dma_start3A_15 : memref<640x128xf32, #tpu.memory_space<hbm>>) target_semaphore(%run_scoped3A : memref<!tpu.dma_semaphore, #tpu.memory_space<semaphore_mem>>)
      %dma_wait3A = arith.constant 0 : i32
      %dma_wait3A_18 = tpu.memref_slice %arg6[%arg0, %mul3A_13, %dma_wait3A] : memref<2x10240x128xf32, #tpu.memory_space<hbm>> -> memref<1x640x128xf32, #tpu.memory_space<hbm>>
      %dma_wait3A_19 = tpu.memref_squeeze %dma_wait3A_18 : memref<1x640x128xf32, #tpu.memory_space<hbm>> -> memref<640x128xf32, #tpu.memory_space<hbm>>
      %dma_wait3A_20 = arith.constant 0 : i32
      %dma_wait3A_21 = tpu.memref_slice %arg10[%mul3A_11, %dma_wait3A_20] : memref<10240x128xf32, #tpu.memory_space<vmem_shared>> -> memref<640x128xf32, #tpu.memory_space<vmem_shared>>
      tpu.wait_dma2 semaphore(%run_scoped3A : memref<!tpu.dma_semaphore, #tpu.memory_space<semaphore_mem>>) src(%dma_wait3A_21 : memref<640x128xf32, #tpu.memory_space<vmem_shared>>) dst(%dma_wait3A_19 : memref<640x128xf32, #tpu.memory_space<hbm>>)
      tpu.yield
    }) : () -> ()
    return
  }
}

module attributes {stable_mosaic.version = 14 : i64} {
  func.func @_scale_body(%arg0: memref<10000x128xf32, #tpu.memory_space<vmem>>, %arg1: memref<128x128xf32, #tpu.memory_space<vmem>>, %arg2: memref<10000x1xf32, #tpu.memory_space<vmem>>, %arg3: memref<10000x1xf32, #tpu.memory_space<vmem>>, %arg4: memref<10000x128xf32, #tpu.memory_space<vmem>>, %arg5: memref<10000x1xf32, #tpu.memory_space<vmem>>) attributes {dimension_semantics = [], scalar_prefetch = 0 : i64, scratch_operands = 0 : i64, tpu.core_type = #tpu.core_type<tc>} {
    %get3A = arith.constant 0 : index
    %get3A_0 = arith.constant 0 : index
    %get3A_1 = vector.load %arg2[%get3A, %get3A_0] : memref<10000x1xf32, #tpu.memory_space<vmem>>, vector<10000x1xf32>
    %get3A_2 = arith.constant 0 : index
    %get3A_3 = arith.constant 0 : index
    %get3A_4 = vector.load %arg3[%get3A_2, %get3A_3] : memref<10000x1xf32, #tpu.memory_space<vmem>>, vector<10000x1xf32>
    %add3A = arith.addf %get3A_1, %get3A_4 : vector<10000x1xf32>
    %add3A_5 = arith.constant 1.000000e+00 : f32
    %add3A_6 = vector.broadcast %add3A_5 : f32 to vector<10000x1xf32>
    %add3A_7 = arith.addf %add3A, %add3A_6 : vector<10000x1xf32>
    %rsqrt3A = math.rsqrt %add3A_7 : vector<10000x1xf32>
    %swap3A = arith.constant 0 : index
    %swap3A_8 = arith.constant 0 : index
    %swap3A_9 = vector.load %arg5[%swap3A, %swap3A_8] : memref<10000x1xf32, #tpu.memory_space<vmem>>, vector<10000x1xf32>
    tpu.vector_store %arg5[%swap3A, %swap3A_8], %rsqrt3A {strides = array<i32>} : memref<10000x1xf32, #tpu.memory_space<vmem>>, vector<10000x1xf32>,
    %get3A_10 = arith.constant 0 : index
    %get3A_11 = arith.constant 0 : index
    %get3A_12 = vector.load %arg0[%get3A_10, %get3A_11] : memref<10000x128xf32, #tpu.memory_space<vmem>>, vector<10000x128xf32>
    %get3A_13 = arith.constant 0 : index
    %get3A_14 = arith.constant 0 : index
    %get3A_15 = vector.load %arg1[%get3A_13, %get3A_14] : memref<128x128xf32, #tpu.memory_space<vmem>>, vector<128x128xf32>
    %dot_general3A = arith.constant dense<0.000000e+00> : vector<10000x128xf32>
    %dot_general3A_16 = tpu.matmul %get3A_12, %get3A_15, %dot_general3A {dimension_numbers = #tpu.dot_dimension_numbers<[1], [0], [0], [1], [0, 0, 1, 1], [], []>, transpose_lhs_hint = false} : vector<10000x128xf32>, vector<128x128xf32>, vector<10000x128xf32> -> vector<10000x128xf32>
    %mul3A = vector.broadcast %rsqrt3A : vector<10000x1xf32> to vector<10000x128xf32>
    %mul3A_17 = arith.mulf %dot_general3A_16, %mul3A : vector<10000x128xf32>
    %swap3A_18 = arith.constant 0 : index
    %swap3A_19 = arith.constant 0 : index
    %swap3A_20 = vector.load %arg4[%swap3A_18, %swap3A_19] : memref<10000x128xf32, #tpu.memory_space<vmem>>, vector<10000x128xf32>
    tpu.vector_store %arg4[%swap3A_18, %swap3A_19], %mul3A_17 {strides = array<i32>} : memref<10000x128xf32, #tpu.memory_space<vmem>>, vector<10000x128xf32>,
    return
  }
}

module attributes {stable_mosaic.version = 14 : i64} {
  func.func @_final_body(%arg0: memref<2x10240x128xf32, #tpu.memory_space<vmem>>, %arg1: memref<10000x128xf32, #tpu.memory_space<vmem>>, %arg2: memref<10000x1xf32, #tpu.memory_space<vmem>>, %arg3: memref<10000x128xf32, #tpu.memory_space<vmem>>, %arg4: memref<1x128xf32, #tpu.memory_space<vmem>>, %arg5: memref<128x32xf32, #tpu.memory_space<vmem>>, %arg6: memref<1x32xf32, #tpu.memory_space<vmem>>, %arg7: memref<32x32xf32, #tpu.memory_space<vmem>>, %arg8: memref<1x32xf32, #tpu.memory_space<vmem>>, %arg9: memref<32x1xf32, #tpu.memory_space<vmem>>, %arg10: memref<1x1xf32, #tpu.memory_space<vmem>>, %arg11: memref<1x1xf32, #tpu.memory_space<vmem>>) attributes {dimension_semantics = [], scalar_prefetch = 0 : i64, scratch_operands = 0 : i64, tpu.core_type = #tpu.core_type<tc>} {
    %get3A = arith.constant 0 : index
    %get3A_0 = arith.constant 0 : index
    %get3A_1 = vector.load %arg2[%get3A, %get3A_0] : memref<10000x1xf32, #tpu.memory_space<vmem>>, vector<10000x1xf32>
    %get3A_2 = arith.constant 0 : index
    %get3A_3 = arith.constant 0 : index
    %get3A_4 = arith.constant 0 : index
    %get3A_5 = vector.load %arg0[%get3A_2, %get3A_3, %get3A_4] : memref<2x10240x128xf32, #tpu.memory_space<vmem>>, vector<1x10000x128xf32>
    %get3A_6 = vector.shape_cast %get3A_5 : vector<1x10000x128xf32> to vector<10000x128xf32>
    %get3A_7 = arith.constant 1 : index
    %get3A_8 = arith.constant 0 : index
    %get3A_9 = arith.constant 0 : index
    %get3A_10 = vector.load %arg0[%get3A_7, %get3A_8, %get3A_9] : memref<2x10240x128xf32, #tpu.memory_space<vmem>>, vector<1x10000x128xf32>
    %get3A_11 = vector.shape_cast %get3A_10 : vector<1x10000x128xf32> to vector<10000x128xf32>
    %add3A = arith.addf %get3A_6, %get3A_11 : vector<10000x128xf32>
    %get3A_12 = arith.constant 0 : index
    %get3A_13 = arith.constant 0 : index
    %get3A_14 = vector.load %arg1[%get3A_12, %get3A_13] : memref<10000x128xf32, #tpu.memory_space<vmem>>, vector<10000x128xf32>
    %add3A_15 = arith.addf %add3A, %get3A_14 : vector<10000x128xf32>
    %mul3A = vector.broadcast %get3A_1 : vector<10000x1xf32> to vector<10000x128xf32>
    %mul3A_16 = arith.mulf %mul3A, %add3A_15 : vector<10000x128xf32>
    %get3A_17 = arith.constant 0 : index
    %get3A_18 = arith.constant 0 : index
    %get3A_19 = vector.load %arg4[%get3A_17, %get3A_18] : memref<1x128xf32, #tpu.memory_space<vmem>>, vector<1x128xf32>
    %add3A_20 = vector.broadcast %get3A_19 : vector<1x128xf32> to vector<10000x128xf32>
    %add3A_21 = arith.addf %mul3A_16, %add3A_20 : vector<10000x128xf32>
    %max3A = arith.constant 0.000000e+00 : f32
    %max3A_22 = vector.broadcast %max3A : f32 to vector<10000x128xf32>
    %max3A_23 = arith.maximumf %add3A_21, %max3A_22 : vector<10000x128xf32>
    %get3A_24 = arith.constant 0 : index
    %get3A_25 = arith.constant 0 : index
    %get3A_26 = vector.load %arg3[%get3A_24, %get3A_25] : memref<10000x128xf32, #tpu.memory_space<vmem>>, vector<10000x128xf32>
    %add3A_27 = arith.addf %max3A_23, %get3A_26 : vector<10000x128xf32>
    %reduce_sum3A = arith.constant dense<0.000000e+00> : vector<128xf32>
    %reduce_sum3A_28 = vector.multi_reduction <add>, %add3A_27, %reduce_sum3A [0] : vector<10000x128xf32> to vector<128xf32>
    %broadcast_in_dim3A = vector.shape_cast %reduce_sum3A_28 : vector<128xf32> to vector<1x128xf32>
    %get3A_29 = arith.constant 0 : index
    %get3A_30 = arith.constant 0 : index
    %get3A_31 = vector.load %arg5[%get3A_29, %get3A_30] : memref<128x32xf32, #tpu.memory_space<vmem>>, vector<128x32xf32>
    %dot_general3A = arith.constant dense<0.000000e+00> : vector<1x32xf32>
    %dot_general3A_32 = tpu.matmul %broadcast_in_dim3A, %get3A_31, %dot_general3A {dimension_numbers = #tpu.dot_dimension_numbers<[1], [0], [0], [1], [0, 0, 1, 1], [], []>, transpose_lhs_hint = false} : vector<1x128xf32>, vector<128x32xf32>, vector<1x32xf32> -> vector<1x32xf32>
    %get3A_33 = arith.constant 0 : index
    %get3A_34 = arith.constant 0 : index
    %get3A_35 = vector.load %arg6[%get3A_33, %get3A_34] : memref<1x32xf32, #tpu.memory_space<vmem>>, vector<1x32xf32>
    %add3A_36 = arith.addf %dot_general3A_32, %get3A_35 : vector<1x32xf32>
    %max3A_37 = arith.constant 0.000000e+00 : f32
    %max3A_38 = vector.broadcast %max3A_37 : f32 to vector<1x32xf32>
    %max3A_39 = arith.maximumf %add3A_36, %max3A_38 : vector<1x32xf32>
    %get3A_40 = arith.constant 0 : index
    %get3A_41 = arith.constant 0 : index
    %get3A_42 = vector.load %arg7[%get3A_40, %get3A_41] : memref<32x32xf32, #tpu.memory_space<vmem>>, vector<32x32xf32>
    %dot_general3A_43 = arith.constant dense<0.000000e+00> : vector<1x32xf32>
    %dot_general3A_44 = tpu.matmul %max3A_39, %get3A_42, %dot_general3A_43 {dimension_numbers = #tpu.dot_dimension_numbers<[1], [0], [0], [1], [0, 0, 1, 1], [], []>, transpose_lhs_hint = false} : vector<1x32xf32>, vector<32x32xf32>, vector<1x32xf32> -> vector<1x32xf32>
    %get3A_45 = arith.constant 0 : index
    %get3A_46 = arith.constant 0 : index
    %get3A_47 = vector.load %arg8[%get3A_45, %get3A_46] : memref<1x32xf32, #tpu.memory_space<vmem>>, vector<1x32xf32>
    %add3A_48 = arith.addf %dot_general3A_44, %get3A_47 : vector<1x32xf32>
    %max3A_49 = arith.constant 0.000000e+00 : f32
    %max3A_50 = vector.broadcast %max3A_49 : f32 to vector<1x32xf32>
    %max3A_51 = arith.maximumf %add3A_48, %max3A_50 : vector<1x32xf32>
    %get3A_52 = arith.constant 0 : index
    %get3A_53 = arith.constant 0 : index
    %get3A_54 = vector.load %arg9[%get3A_52, %get3A_53] : memref<32x1xf32, #tpu.memory_space<vmem>>, vector<32x1xf32>
    %dot_general3A_55 = arith.constant dense<0.000000e+00> : vector<1x1xf32>
    %dot_general3A_56 = tpu.matmul %max3A_51, %get3A_54, %dot_general3A_55 {dimension_numbers = #tpu.dot_dimension_numbers<[1], [0], [0], [1], [0, 0, 1, 1], [], []>, transpose_lhs_hint = false} : vector<1x32xf32>, vector<32x1xf32>, vector<1x1xf32> -> vector<1x1xf32>
    %get3A_57 = arith.constant 0 : index
    %get3A_58 = arith.constant 0 : index
    %get3A_59 = vector.load %arg10[%get3A_57, %get3A_58] : memref<1x1xf32, #tpu.memory_space<vmem>>, vector<1x1xf32>
    %add3A_60 = arith.addf %dot_general3A_56, %get3A_59 : vector<1x1xf32>
    %swap3A = arith.constant 0 : index
    %swap3A_61 = arith.constant 0 : index
    %swap3A_62 = vector.load %arg11[%swap3A, %swap3A_61] : memref<1x1xf32, #tpu.memory_space<vmem>>, vector<1x1xf32>
    tpu.vector_store %arg11[%swap3A, %swap3A_61], %add3A_60 {strides = array<i32>} : memref<1x1xf32, #tpu.memory_space<vmem>>, vector<1x1xf32>,
    return
  }
}

</mosaic_0001>

<sc_bundles>
// kernel: kernel.6.cloned.1.call-start
scs
__scs_entry_jumppad:
0x0: {  	(pc) =	sbr.rel $0x88, $3  }
0x1: {  	(tag) =	ssettag $0x0;
	lr =	simm.s32 $0x1  }
0x2: {  	[smem:$0x3F97] =	sst lr;
	_ =	strace $0xD0000000  }
0x3: {  	_ = 	snop  }
0x4: {  	_ = 	snop  }
0x5: {  	_ = 	snop  }
0x6: {  	_ = 	snop  }
0x7: {  	_ = 	snop  }
__scs_overlays_trampoline_lowered:
0x8: {  	[smem:$0x3FA6] =	sst s0  }
0x9: {  	[smem:$0x3FA7] =	sst s1  }
0xa: {  	[smem:$0x3FA8] =	sst s2  }
0xb: {  	[smem:$0x3FA9] =	sst s3  }
0xc: {  	[smem:$0x3FAA] =	sst s4  }
0xd: {  	[smem:$0x3FAB] =	sst s5  }
0xe: {  	[smem:$0x3FAC] =	sst s6  }
0xf: {  	[smem:$0x3FAD] =	sst s7  }
0x10: {  	[smem:$0x3FAE] =	sst s8  }
0x11: {  	[smem:$0x3FAF] =	sst s9;
	s0 =	simm.s32 @!p0 $0x0  }
0x12: {  	s1 =	sld [smem:$0x3F95];
	s0 =	simm.s32 @p0 $0x1  }
0x13: {  	[smem:$0x3FB0] =	sst s0;
	s0 =	simm.s32 @!p1 $0x0  }
0x14: {  	s2 =	sld [smem:$0x3F94];
	s0 =	simm.s32 @p1 $0x1  }
0x15: {  	[smem:$0x3FB1] =	sst s0;
	s0 =	simm.s32 @!p2 $0x0  }
0x16: {  	s3 =	sld [smem:$0x3FDB];
	s0 =	simm.s32 @p2 $0x1  }
0x17: {  	s4 =	simm.s32 $0x1BF5;
	[smem:$0x3FB3] =	sst s0  }
0x18: {  	s0 =	sld [smem:$0x3F96];
	_ =	swait.ge [sflag:s4], $0x0  }
0x19: {  	s7 =	sld [smem:$0x3F97]  }
0x1a: {  	s8 =	sadd.s32 $0xFFFFE003, lr  }
0x1b: {  	s9 =	sadd.s32 $0xFFFFFEF7, lr;
	s5 =	simm.s32 $0xFFFFFFFF;
	p2 =	slt.u32 s8, $0xFFFFF086  }
0x1c: {  	p1 =	slt.u32 s9, $0xF7A;
	s5 =	simm.s32 @!p2 $0x0  }
0x1d: {  	s5 =	simm.s32 @p1 $0x1;
	p0 =	seq.s32 s7, s2  }
0x1e: {  	s7 =	smul.u32 @!p0 $0xF7A, s2;
	p2 =	seq.s32 @!p0 s5, $0x0  }
0x1f: {  	s9 =	smul.u32 $0xF7A, s1;
	s8 =	simm.s32 @!p0 $0x1BF5;
	p2 =	por !p2, p0  }
0x20: {  	[sflag:s8] =	ssyncset.s32 @!p0 $0xFFFFF086;
	s6 =	sadd.s32 @!p0 s3, s7;
	s7 =	simm.s32 @!p0 $0x108  }
0x21: {  	s3 =	sadd.s32 s3, s9;
	s6 =	sadd.s32 @!p0 $0x88, s6;
	s7 =	simm.s32 @p2 $0x1082  }
0x22: {  	[simem:s7], [sflag:s8] =	dma.local @!p0 [hbm:s6], $0xF7A  }
0x23: {  	s9 =	sor.u32 $0xD0000000, s2;
	s6 =	simm.s32 $0x108;
	_ =	swait.ge @!p0 [sflag:s8], $0x0  }
0x24: {  	s3 =	sadd.s32 $0x88, s3;
	s6 =	simm.s32 @!p1 $0x1082;
	[sflag:s4] =	ssyncset.s32 $0xFFFFF086  }
0x25: {  	[simem:s6], [sflag:s4] =	dma.local [hbm:s3], $0xF7A  }
0x26: {  	[smem:$0x3F97] =	sst s1;
	(tag) =	ssettag s2;
	_ =	strace s9  }
0x27: {  	s1 =	sld [smem:$0x3FA7]  }
0x28: {  	s2 =	sld [smem:$0x3FA8]  }
0x29: {  	s4 =	sld [smem:$0x3FAA]  }
0x2a: {  	p0 =	seq.s32 s5, $0x0;
	s5 =	sld [smem:$0x3FAB]  }
0x2b: {  	s6 =	sld [smem:$0x3FAC]  }
0x2c: {  	s7 =	sld [smem:$0x3FAD]  }
0x2d: {  	s3 =	simm.s32 $0x108;
	s8 =	sld [smem:$0x3FAE]  }
0x2e: {  	s3 =	simm.s32 @!p0 $0x1082;
	s9 =	sld [smem:$0x3FAF]  }
0x2f: {  	lr =	sadd.s32 s0, s3;
	s0 =	sld [smem:$0x3FA6]  }
0x30: {  	s3 =	sld [smem:$0x3FA9]  }
0x31: {  	[smem:$0x3FB2] =	sst s10  }
0x32: {  	s10 =	sld [smem:$0x3FB0];
	_ =	sdelay $0x3  }
0x33: {  	p0 =	seq.s32 s10, $0x1;
	s10 =	sld [smem:$0x3FB2];
	_ =	sdelay $0x3  }
0x34: {  	[smem:$0x3FB2] =	sst s10  }
0x35: {  	s10 =	sld [smem:$0x3FB1];
	_ =	sdelay $0x3  }
0x36: {  	p1 =	seq.s32 s10, $0x1;
	s10 =	sld [smem:$0x3FB2];
	_ =	sdelay $0x3  }
0x37: {  	[smem:$0x3FB2] =	sst s10  }
0x38: {  	s10 =	sld [smem:$0x3FB3]  }
0x39: {  	_ = 	snop;
	(pc) =	sbr.ind lr, $3  }
0x3a: {  	_ = 	snop  }
0x3b: {  	_ = 	snop  }
0x3c: {  	p2 =	seq.s32 s10, $0x1;
	s10 =	sld [smem:$0x3FB2]  }
0x3d: {  	_ =	shalt  }
0x3e: {  	_ =	shalt  }
0x3f: {  	_ =	shalt  }
0x40: {  	_ =	shalt  }
0x41: {  	_ =	shalt  }
0x42: {  	_ =	shalt  }
0x43: {  	_ =	shalt  }
0x44: {  	_ =	shalt  }
0x45: {  	_ =	shalt  }
0x46: {  	_ =	shalt  }
0x47: {  	_ =	shalt  }
0x48: {  	_ =	shalt  }
0x49: {  	_ =	shalt  }
0x4a: {  	_ =	shalt  }
0x4b: {  	_ =	shalt  }
0x4c: {  	_ =	shalt  }
0x4d: {  	_ =	shalt  }
0x4e: {  	_ =	shalt  }
0x4f: {  	_ =	shalt  }
0x50: {  	_ =	shalt  }
0x51: {  	_ =	shalt  }
0x52: {  	_ =	shalt  }
0x53: {  	_ =	shalt  }
0x54: {  	_ =	shalt  }
0x55: {  	_ =	shalt  }
0x56: {  	_ =	shalt  }
0x57: {  	_ =	shalt  }
0x58: {  	_ =	shalt  }
0x59: {  	_ =	shalt  }
0x5a: {  	_ =	shalt  }
0x5b: {  	_ =	shalt  }
0x5c: {  	_ =	shalt  }
0x5d: {  	_ =	shalt  }
0x5e: {  	_ =	shalt  }
0x5f: {  	_ =	shalt  }
0x60: {  	_ =	shalt  }
0x61: {  	_ =	shalt  }
0x62: {  	_ =	shalt  }
0x63: {  	_ =	shalt  }
0x64: {  	_ =	shalt  }
0x65: {  	_ =	shalt  }
0x66: {  	_ =	shalt  }
0x67: {  	_ =	shalt  }
0x68: {  	_ =	shalt  }
0x69: {  	_ =	shalt  }
0x6a: {  	_ =	shalt  }
0x6b: {  	_ =	shalt  }
0x6c: {  	_ =	shalt  }
0x6d: {  	_ =	shalt  }
0x6e: {  	_ =	shalt  }
0x6f: {  	_ =	shalt  }
0x70: {  	_ =	shalt  }
0x71: {  	_ =	shalt  }
0x72: {  	_ =	shalt  }
0x73: {  	_ =	shalt  }
0x74: {  	_ =	shalt  }
0x75: {  	_ =	shalt  }
0x76: {  	_ =	shalt  }
0x77: {  	_ =	shalt  }
0x78: {  	_ =	shalt  }
0x79: {  	_ =	shalt  }
0x7a: {  	_ =	shalt  }
0x7b: {  	_ =	shalt  }
0x7c: {  	_ =	shalt  }
0x7d: {  	_ =	shalt  }
0x7e: {  	_ =	shalt  }
0x7f: {  	_ =	shalt  }
0x80: {  	_ =	shalt  }
0x81: {  	_ =	shalt  }
0x82: {  	_ =	shalt  }
0x83: {  	_ =	shalt  }
0x84: {  	_ =	shalt  }
0x85: {  	_ =	shalt  }
0x86: {  	_ =	shalt  }
0x87: {  	_ =	shalt  }
.Lfunc_end0:
.L_simem_size_0:
called_computation_lowered:
.L_overlay_start_0:
0x88: {  	s2 =	sld [smem:$0x3FD9]  }
0x89: {  	s3 =	sld [smem:$0x3FFE];
	_ =	sdelay $0x1  }
0x8a: {  	s1 =	srdreg.scid  }
0x8b: {  	s0 =	sand.u32 $0x1, s1  }
0x8c: {  	s16 =	sshll.u32 s0, $0xA;
	s2 =	sadd.s32 s3, s2  }
0x8d: {  	s2 =	sadd.s32 s2, s16  }
0x8e: {  	[smem:$0x3FBE] =	sst s2  }
0x8f: {  	_ = 	snop  }
0x90: {  	(tm) =	ssettm $0x1  }
0x91: {  	s17 =	sld [smem:$0x3FFB];
	_ =	sdelay $0x3  }
0x92: {  	_ =	strace s17  }
0x93: {  	s2 =	sld [smem:$0x3FFC];
	_ =	sdelay $0x3  }
0x94: {  	_ =	strace s2  }
0x95: {  	s2 =	sld [smem:$0x3FFD];
	_ =	sdelay $0x3  }
0x96: {  	_ =	strace s2  }
0x97: {  	_ =	strace $0x8FFFFFFF  }
0x98: {  	s18 =	sld [smem:$0x3FDB];
	_ =	sdelay $0x1  }
0x99: {  	s19 =	simm.s32 $_scs_section_size  }
0x9a: {  	s4 =	simm.s32 $_size__tile_overlayer_lowered;
	s5 =	simm.s32 $_tile_overlayer_lowered  }
0x9b: {  	s22 =	simm.s32 $0x1BFF;
	s21 =	sshll.u32 s5, $0x1;
	s2 =	sadd.s32 s19, s18  }
0x9c: {  	s6 =	simm.s32 $0x0;
	s20 =	sshll.u32 s4, $0x1;
	s4 =	sadd.s32 s21, s2  }
0x9d: {  	[timem:s6], [sflag:s22] =	dma.local [hbm:s4], s20  }
0x9e: {  	_ =	swait.ge [sflag:s22], s20  }
0x9f: {  	s3 =	ssub.s32 $0x0, s20;
	[sflag:s22] =	ssyncset.done $0x0  }
0xa0: {  	[sflag:s22] =	ssyncadd.s32 s3;
	_ =	sdelay $0x1  }
0xa1: {  	s23 =	simm.s32 $0x1B8B  }
0xa2: {  	_ =	swait.ge [sflag:s23], $0x1  }
0xa3: {  	[sflag:s23] =	ssyncset.done $0x0  }
0xa4: {  	s25 =	simm.s32 $0x1B8E;
	s24 =	sld [smem:$0x3FFE];
	[sflag:s23] =	ssyncadd.s32 $0xFFFFFFFF  }
0xa5: {  	s26 =	simm.s32 $execute0_lowered;
	[smem:$0x3FD2] =	sst s25  }
0xa6: {  	s4 =	sshll.u32 s26, $0x1;
	_ =	strace $0x80000046;
	[dreg:$0x1] =	wrdreg $0xFFFFFFFF  }
0xa7: {  	s28 =	simm.s32 $_size_execute0_lowered;
	s2 =	sadd.s32 s2, s4;
	[dreg:$0x0] =	wrdreg $0x0  }
0xa8: {  	s4 =	sshll.u32 s28, $0x1;
	[dreg:$0x2] =	wrdreg s2  }
0xa9: {  	[dreg:$0x3] =	wrdreg s4  }
0xaa: {  	[dreg:$0x4] =	wrdreg $0xC0  }
0xab: {  	_ =	task [dreg:s6], $0x5FFFF  }
0xac: {  	[dreg:$0x1] =	wrdreg $0xFFFFFFFF  }
0xad: {  	[dreg:$0x0] =	wrdreg $0x60  }
0xae: {  	[dreg:$0x2] =	wrdreg s24  }
0xaf: {  	[dreg:$0x3] =	wrdreg $0x3800  }
0xb0: {  	[dreg:$0x4] =	wrdreg $0x9  }
0xb1: {  	_ =	task.clear_ibuf [dreg:s6], $0x5FFFF;
	_ =	strace $0x90000046  }
0xb2: {  	s29 =	simm.s32 $0x9;
	_ =	strace $0x80000048  }
0xb3: {  	_ =	swait.ge [sflag:s29], $0x1  }
0xb4: {  	[sflag:s29] =	ssyncadd.s32 $0xFFFFFFFF  }
0xb5: {  	_ =	strace $0x90000048  }
0xb6: {  	_ =	sfence  }
0xb7: {  	s30 =	sld [smem:$0x0];
	_ =	sdelay $0x2  }
0xb8: {  	s31 =	sshll.u32 s1, $0xD;
	s1 =	sshrl.u32 s1, $0x2  }
0xb9: {  	s3 =	sand.u32 $0x4000, s31;
	s1 =	sadd.s32 s1, s30  }
0xba: {  	s0 =	sor.u32 s3, s0;
	s1 =	sshll.u32 s1, $0x11  }
0xbb: {  	s0 =	sor.u32 s1, s0  }
0xbc: {  	s0 =	sadd.s32 $0x8F2B, s0  }
0xbd: {  	[sflag:s0] =	ssyncadd.remote.s32 $0x1  }
0xbe: {  	_ =	sfence.sel $0xFFFF  }
0xbf: {  	[dreg:$0x0] =	wrdreg $0xFFFFFFFF;
	(pc) =	sbr.abs _section_cstart, $3  }
0xc0: {  	[dreg:$0x1] =	wrdreg $0xFFFFFFFF  }
0xc1: {  	_ =	task.clear_ibuf [dreg:s6], $0x2FFFF;
	_ =	strace $0x9FFFFFFF  }
0xc2: {  	(tm) =	ssettm $0x7FFFFFFF  }
0xc3: {  	_ =	shalt  }
tec
execute0_lowered:
.L_overlay_start_1:
0x0: {  	(tag) =	ssettag $0x1  }
0x1: {  	s1 =	srdreg.scid  }
0x2: {  	s0 =	stileid.u32;
	s4 =	rddreg [dreg:$0x0]  }
0x3: {  	s2 =	rddreg [dreg:$0x1];
	s3 =	simm.s32 $0x0;
	s6 =	smul.u32 $0x4E20, s0  }
0x4: {  	s10 =	simm.s32 $0x50;
	s11 =	simm.s32 $0x80;
	s26 =	smul.u32 $0x500, s0  }
0x5: {  	s5 =	sand.u32 $0x1, s1;
	s1 =	rddreg [dreg:$0x2];
	s28 =	smul.u32 $0xA00, s0  }
0x6: {  	s12 =	simm.s32 $0x0;
	[smem:$0x7FF] =	sst s3;
	s7 =	smul.u32 $0x2710, s5  }
0x7: {  	_ =	strace $0x80000047;
	s8 =	sshll.u32 s5, $0x7;
	s5 =	ssub.s32 $0x2, s5  }
0x8: {  	s30 =	sshrl.u32 s5, $0x1;
	s6 =	sadd.s32 s7, s6;
	s7 =	sor.u32 s8, s26  }
0x9: {  	s31 =	sshrl.u32 s28, $0x2;
	s6 =	sshrl.u32 s6, $0x3;
	s29 =	sshrl.u32 s7, $0x3  }
0xa: {  	s8 =	simm.s32 $0x100;
	s9 =	sadd.s32 s6, s4;
	s6 =	sadd.s32 s29, s4  }
0xb: {  	s7 =	ssub.s32 s5, s30;
	s4 =	sadd.s32 s31, s2;
	s5 =	sadd.s32 $0x16000, s6  }
0xc: {  	v0 =	vimm.f32 $1.000000000e+00;
	v1 =	vimm.f32 $0.0e+00;
	s6 =	smax.u32 s7, $0x1;
	s7 =	sadd.s32 $0x2400, s9;
	s9 =	simm.s32 $0x1  }
.LBB2_1:
0xd: {  	[tilespmem:$0x80] =	vst v0  }
0xe: {  	[tilespmem:$0x90] =	vst v0  }
0xf: {  	[tilespmem:$0xA0] =	vst v0  }
0x10: {  	[tilespmem:$0xB0] =	vst v0  }
0x11: {  	[tilespmem:$0xC0] =	vst v0  }
0x12: {  	[tilespmem:$0x100] =	vst v1  }
0x13: {  	[tilespmem:$0x110] =	vst v1  }
0x14: {  	[tilespmem:$0x120] =	vst v1  }
0x15: {  	[tilespmem:$0x130] =	vst v1  }
0x16: {  	[tilespmem:$0x140] =	vst v1  }
0x17: {  	[tilespmem:$0x150] =	vst v1  }
0x18: {  	[tilespmem:$0x160] =	vst v1  }
0x19: {  	[tilespmem:$0x170] =	vst v1  }
0x1a: {  	[tilespmem:$0x180] =	vst v1  }
0x1b: {  	[tilespmem:$0x190] =	vst v1  }
0x1c: {  	[tilespmem:$0x1A0] =	vst v1  }
0x1d: {  	[tilespmem:$0x1B0] =	vst v1  }
0x1e: {  	[tilespmem:$0x1C0] =	vst v1  }
0x1f: {  	[tilespmem:$0x1D0] =	vst v1  }
0x20: {  	[tilespmem:$0x1E0] =	vst v1  }
0x21: {  	[tilespmem:$0x1F0] =	vst v1  }
0x22: {  	[tilespmem:$0x200] =	vst v1  }
0x23: {  	[tilespmem:$0x210] =	vst v1  }
0x24: {  	[tilespmem:$0x220] =	vst v1  }
0x25: {  	[tilespmem:$0x230] =	vst v1  }
0x26: {  	[tilespmem:$0x240] =	vst v1  }
0x27: {  	[tilespmem:$0x250] =	vst v1  }
0x28: {  	[tilespmem:$0x260] =	vst v1  }
0x29: {  	[tilespmem:$0x270] =	vst v1  }
0x2a: {  	[tilespmem:$0x280] =	vst v1  }
0x2b: {  	[tilespmem:$0x290] =	vst v1  }
0x2c: {  	[tilespmem:$0x2A0] =	vst v1  }
0x2d: {  	[tilespmem:$0x2B0] =	vst v1  }
0x2e: {  	[tilespmem:$0x2C0] =	vst v1  }
0x2f: {  	[tilespmem:$0x2D0] =	vst v1  }
0x30: {  	[tilespmem:$0x2E0] =	vst v1  }
0x31: {  	[tilespmem:$0x2F0] =	vst v1  }
0x32: {  	[tilespmem:$0x300] =	vst v1  }
0x33: {  	[tilespmem:$0x310] =	vst v1  }
0x34: {  	[tilespmem:$0x320] =	vst v1  }
0x35: {  	[tilespmem:$0x330] =	vst v1  }
0x36: {  	[tilespmem:$0x340] =	vst v1  }
0x37: {  	[tilespmem:$0x350] =	vst v1  }
0x38: {  	[tilespmem:$0x360] =	vst v1  }
0x39: {  	[tilespmem:$0x370] =	vst v1  }
0x3a: {  	[spmem:s4] =	stream.linear.scatter [tilespmem:s8], [sflag:$0x1], $0x280, $0x38;
	[tilespmem:$0x600] =	vst v63  }
0x3b: {  	_ =	swait.ge [sflag:s9], $0x280  }
0x3c: {  	[sflag:s9] =	ssyncset.done $0x0  }
0x3d: {  	[sflag:s9] =	ssyncadd.s32 $0xFFFFFD80  }
0x3e: {  	s13 =	sadd.s32 $0x0, s7;
	[bflag:$0x0] =	sbarrier.arrive $0xFFFF  }
0x3f: {  	[tilespmem:s3], [sflag:$0x1] =	stream.linear.gather [hbm4b:s13+s3], $0x50, $0x38;
	[tilespmem:$0x600] =	vst v63  }
0x40: {  	_ =	swait.ge [sflag:s9], $0x50  }
0x41: {  	[sflag:s9] =	ssyncset.done $0x0  }
0x42: {  	[sflag:s9] =	ssyncadd.s32 $0xFFFFFFB0  }
0x43: {  	[spmem:s2] =	stream.indirect.scatter.add.f32 [tilespmem:s11], [sflag:$0x1], $0x1, s3, s10, $0xb8;
	[tilespmem:$0x600] =	vst v63  }
0x44: {  	_ =	swait.ge [sflag:s9], $0x50  }
0x45: {  	s14 =	simm.s32 $0x14;
	s13 =	simm.s32 $0xA;
	[sflag:s9] =	ssyncset.done $0x0  }
.LBB2_2:
0x46: {  	s15 =	sadd.s32 s13, s7  }
0x47: {  	[sflag:s9] =	ssyncadd.s32 $0xFFFFFFB0;
	s13 =	smov.u32 s14;
	s16 =	sadd.s32 $0xA, s14  }
0x48: {  	[tilespmem:s3], [sflag:$0x1] =	stream.linear.gather [hbm4b:s15+s3], $0x50, $0x38;
	[tilespmem:$0x600] =	vst v63  }
0x49: {  	p0 =	sne.s32 s14, $0x4D8;
	_ =	swait.ge [sflag:s9], $0x50  }
.Ltmp0:
0x4a: {  	[sflag:s9] =	ssyncset.done $0x0;
	(pc) =	sbr.rel @p0 .LBB2_2-.Ltmp0, $4  }
0x4b: {  	[sflag:s9] =	ssyncadd.s32 $0xFFFFFFB0  }
0x4c: {  	[spmem:s2] =	stream.indirect.scatter.add.f32 [tilespmem:s11], [sflag:$0x1], $0x1, s3, s10, $0xb8;
	[tilespmem:$0x600] =	vst v63  }
0x4d: {  	_ =	swait.ge [sflag:s9], $0x50  }
0x4e: {  	s14 =	smov.u32 s16;
	[sflag:s9] =	ssyncset.done $0x0  }
0x4f: {  	s13 =	sadd.s32 s13, s7;
	[sflag:s9] =	ssyncadd.s32 $0xFFFFFFB0  }
0x50: {  	[tilespmem:s3], [sflag:$0x1] =	stream.linear.gather [hbm4b:s13+s3], $0x50, $0x38;
	[tilespmem:$0x600] =	vst v63  }
0x51: {  	_ =	swait.ge [sflag:s9], $0x50  }
0x52: {  	[sflag:s9] =	ssyncset.done $0x0  }
0x53: {  	[sflag:s9] =	ssyncadd.s32 $0xFFFFFFB0  }
0x54: {  	[spmem:s2] =	stream.indirect.scatter.add.f32 [tilespmem:s11], [sflag:$0x1], $0x1, s3, s10, $0xb8;
	[tilespmem:$0x600] =	vst v63  }
0x55: {  	_ =	swait.ge [sflag:s9], $0x50  }
0x56: {  	[sflag:s9] =	ssyncset.done $0x0  }
0x57: {  	[sflag:s9] =	ssyncadd.s32 $0xFFFFFFB0  }
0x58: {  	[bflag:$0x0] =	sbarrier.arrive $0xFFFF  }
0x59: {  	[tilespmem:s8], [sflag:$0x1] =	stream.linear.gather [spmem:s4], $0x280, $0x38;
	[tilespmem:$0x600] =	vst v63  }
0x5a: {  	s12 =	sadd.s32 $0x1, s12;
	_ =	swait.ge [sflag:s9], $0x280  }
0x5b: {  	p0 =	sne.s32 s12, s6;
	[sflag:s9] =	ssyncset.done $0x0  }
.Ltmp1:
0x5c: {  	[sflag:s9] =	ssyncadd.s32 $0xFFFFFD80;
	(pc) =	sbr.rel @p0 .LBB2_1-.Ltmp1, $4  }
0x5d: {  	[hbm4b:s5+s11] =	stream.strided.scatter [tilespmem:s8], [sflag:$0x1], $0x280, s8, s11, $0x38;
	[tilespmem:$0x600] =	vst v63  }
0x5e: {  	_ =	swait.ge [sflag:s9], $0x280  }
0x5f: {  	[sflag:s9] =	ssyncset.done $0x0  }
0x60: {  	[sflag:s9] =	ssyncadd.s32 $0xFFFFFD80  }
0x61: {  	_ =	sfence.sel $0x180000  }
0x62: {  	[bflag:$0x0] =	sbarrier.arrive $0xFFFF  }
0x63: {  	p0 =	sne.s32 s0, $0x0;
	_ =	strace $0x90000047  }
0x64: {  	s0 =	sadd.s32 @!p0 $0x100000, s1;
	[bflag:$0x2] =	sbarrier.arrive $0xFFFF  }
0x65: {  	[sflag:s0] =	ssyncadd.tile.s32 @!p0 $0x1;
	_ =	shalt  }
.Lfunc_end2:
_tile_overlayer_lowered:
.L_overlay_start_2:
0x66: {  	(tag) =	ssettag $0x2  }
0x67: {  	s0 =	rddreg [dreg:$0x0];
	s2 =	stileid.u32  }
0x68: {  	s1 =	rddreg [dreg:$0x1];
	p0 =	sne.s32 s2, $0x0  }
0x69: {  	s3 =	rddreg [dreg:$0x2];
	[bflag:$0x3] =	sbarrier.arrive $0xFFFF;
	s2 =	simm.s32 @!p0 $0x1C01  }
0x6a: {  	[timem:s3], [sflag:s2] =	dma.local @!p0 [hbm:s0], s1  }
0x6b: {  	s0 =	simm.s32 @!p0 $0x1  }
0x6c: {  	_ =	swait.ge @!p0 [sflag:s0], s1  }
0x6d: {  	s1 =	ssub.s32 @!p0 $0x0, s1;
	[sflag:s0] =	ssyncset.done @!p0 $0x0  }
0x6e: {  	[sflag:s0] =	ssyncadd.s32 @!p0 s1  }
0x6f: {  	[bflag:$0x3] =	sbarrier.arrive $0xFFFF  }
0x70: {  	_ =	shalt  }

// kernel: kernel.9.cloned.1.call-start
scs
__scs_entry_jumppad:
0x0: {  	(pc) =	sbr.rel $0x88, $3  }
0x1: {  	(tag) =	ssettag $0x0;
	lr =	simm.s32 $0x1  }
0x2: {  	[smem:$0x3F97] =	sst lr;
	_ =	strace $0xD0000000  }
0x3: {  	_ = 	snop  }
0x4: {  	_ = 	snop  }
0x5: {  	_ = 	snop  }
0x6: {  	_ = 	snop  }
0x7: {  	_ = 	snop  }
__scs_overlays_trampoline_lowered:
0x8: {  	[smem:$0x3FA6] =	sst s0  }
0x9: {  	[smem:$0x3FA7] =	sst s1  }
0xa: {  	[smem:$0x3FA8] =	sst s2  }
0xb: {  	[smem:$0x3FA9] =	sst s3  }
0xc: {  	[smem:$0x3FAA] =	sst s4  }
0xd: {  	[smem:$0x3FAB] =	sst s5  }
0xe: {  	[smem:$0x3FAC] =	sst s6  }
0xf: {  	[smem:$0x3FAD] =	sst s7  }
0x10: {  	[smem:$0x3FAE] =	sst s8  }
0x11: {  	[smem:$0x3FAF] =	sst s9;
	s0 =	simm.s32 @!p0 $0x0  }
0x12: {  	s1 =	sld [smem:$0x3F95];
	s0 =	simm.s32 @p0 $0x1  }
0x13: {  	[smem:$0x3FB0] =	sst s0;
	s0 =	simm.s32 @!p1 $0x0  }
0x14: {  	s2 =	sld [smem:$0x3F94];
	s0 =	simm.s32 @p1 $0x1  }
0x15: {  	[smem:$0x3FB1] =	sst s0;
	s0 =	simm.s32 @!p2 $0x0  }
0x16: {  	s3 =	sld [smem:$0x3FDB];
	s0 =	simm.s32 @p2 $0x1  }
0x17: {  	s4 =	simm.s32 $0x1BF5;
	[smem:$0x3FB3] =	sst s0  }
0x18: {  	s0 =	sld [smem:$0x3F96];
	_ =	swait.ge [sflag:s4], $0x0  }
0x19: {  	s7 =	sld [smem:$0x3F97]  }
0x1a: {  	s8 =	sadd.s32 $0xFFFFE003, lr  }
0x1b: {  	s9 =	sadd.s32 $0xFFFFFEF7, lr;
	s5 =	simm.s32 $0xFFFFFFFF;
	p2 =	slt.u32 s8, $0xFFFFF086  }
0x1c: {  	p1 =	slt.u32 s9, $0xF7A;
	s5 =	simm.s32 @!p2 $0x0  }
0x1d: {  	s5 =	simm.s32 @p1 $0x1;
	p0 =	seq.s32 s7, s2  }
0x1e: {  	s7 =	smul.u32 @!p0 $0xF7A, s2;
	p2 =	seq.s32 @!p0 s5, $0x0  }
0x1f: {  	s9 =	smul.u32 $0xF7A, s1;
	s8 =	simm.s32 @!p0 $0x1BF5;
	p2 =	por !p2, p0  }
0x20: {  	[sflag:s8] =	ssyncset.s32 @!p0 $0xFFFFF086;
	s6 =	sadd.s32 @!p0 s3, s7;
	s7 =	simm.s32 @!p0 $0x108  }
0x21: {  	s3 =	sadd.s32 s3, s9;
	s6 =	sadd.s32 @!p0 $0x88, s6;
	s7 =	simm.s32 @p2 $0x1082  }
0x22: {  	[simem:s7], [sflag:s8] =	dma.local @!p0 [hbm:s6], $0xF7A  }
0x23: {  	s9 =	sor.u32 $0xD0000000, s2;
	s6 =	simm.s32 $0x108;
	_ =	swait.ge @!p0 [sflag:s8], $0x0  }
0x24: {  	s3 =	sadd.s32 $0x88, s3;
	s6 =	simm.s32 @!p1 $0x1082;
	[sflag:s4] =	ssyncset.s32 $0xFFFFF086  }
0x25: {  	[simem:s6], [sflag:s4] =	dma.local [hbm:s3], $0xF7A  }
0x26: {  	[smem:$0x3F97] =	sst s1;
	(tag) =	ssettag s2;
	_ =	strace s9  }
0x27: {  	s1 =	sld [smem:$0x3FA7]  }
0x28: {  	s2 =	sld [smem:$0x3FA8]  }
0x29: {  	s4 =	sld [smem:$0x3FAA]  }
0x2a: {  	p0 =	seq.s32 s5, $0x0;
	s5 =	sld [smem:$0x3FAB]  }
0x2b: {  	s6 =	sld [smem:$0x3FAC]  }
0x2c: {  	s7 =	sld [smem:$0x3FAD]  }
0x2d: {  	s3 =	simm.s32 $0x108;
	s8 =	sld [smem:$0x3FAE]  }
0x2e: {  	s3 =	simm.s32 @!p0 $0x1082;
	s9 =	sld [smem:$0x3FAF]  }
0x2f: {  	lr =	sadd.s32 s0, s3;
	s0 =	sld [smem:$0x3FA6]  }
0x30: {  	s3 =	sld [smem:$0x3FA9]  }
0x31: {  	[smem:$0x3FB2] =	sst s10  }
0x32: {  	s10 =	sld [smem:$0x3FB0];
	_ =	sdelay $0x3  }
0x33: {  	p0 =	seq.s32 s10, $0x1;
	s10 =	sld [smem:$0x3FB2];
	_ =	sdelay $0x3  }
0x34: {  	[smem:$0x3FB2] =	sst s10  }
0x35: {  	s10 =	sld [smem:$0x3FB1];
	_ =	sdelay $0x3  }
0x36: {  	p1 =	seq.s32 s10, $0x1;
	s10 =	sld [smem:$0x3FB2];
	_ =	sdelay $0x3  }
0x37: {  	[smem:$0x3FB2] =	sst s10  }
0x38: {  	s10 =	sld [smem:$0x3FB3]  }
0x39: {  	_ = 	snop;
	(pc) =	sbr.ind lr, $3  }
0x3a: {  	_ = 	snop  }
0x3b: {  	_ = 	snop  }
0x3c: {  	p2 =	seq.s32 s10, $0x1;
	s10 =	sld [smem:$0x3FB2]  }
0x3d: {  	_ =	shalt  }
0x3e: {  	_ =	shalt  }
0x3f: {  	_ =	shalt  }
0x40: {  	_ =	shalt  }
0x41: {  	_ =	shalt  }
0x42: {  	_ =	shalt  }
0x43: {  	_ =	shalt  }
0x44: {  	_ =	shalt  }
0x45: {  	_ =	shalt  }
0x46: {  	_ =	shalt  }
0x47: {  	_ =	shalt  }
0x48: {  	_ =	shalt  }
0x49: {  	_ =	shalt  }
0x4a: {  	_ =	shalt  }
0x4b: {  	_ =	shalt  }
0x4c: {  	_ =	shalt  }
0x4d: {  	_ =	shalt  }
0x4e: {  	_ =	shalt  }
0x4f: {  	_ =	shalt  }
0x50: {  	_ =	shalt  }
0x51: {  	_ =	shalt  }
0x52: {  	_ =	shalt  }
0x53: {  	_ =	shalt  }
0x54: {  	_ =	shalt  }
0x55: {  	_ =	shalt  }
0x56: {  	_ =	shalt  }
0x57: {  	_ =	shalt  }
0x58: {  	_ =	shalt  }
0x59: {  	_ =	shalt  }
0x5a: {  	_ =	shalt  }
0x5b: {  	_ =	shalt  }
0x5c: {  	_ =	shalt  }
0x5d: {  	_ =	shalt  }
0x5e: {  	_ =	shalt  }
0x5f: {  	_ =	shalt  }
0x60: {  	_ =	shalt  }
0x61: {  	_ =	shalt  }
0x62: {  	_ =	shalt  }
0x63: {  	_ =	shalt  }
0x64: {  	_ =	shalt  }
0x65: {  	_ =	shalt  }
0x66: {  	_ =	shalt  }
0x67: {  	_ =	shalt  }
0x68: {  	_ =	shalt  }
0x69: {  	_ =	shalt  }
0x6a: {  	_ =	shalt  }
0x6b: {  	_ =	shalt  }
0x6c: {  	_ =	shalt  }
0x6d: {  	_ =	shalt  }
0x6e: {  	_ =	shalt  }
0x6f: {  	_ =	shalt  }
0x70: {  	_ =	shalt  }
0x71: {  	_ =	shalt  }
0x72: {  	_ =	shalt  }
0x73: {  	_ =	shalt  }
0x74: {  	_ =	shalt  }
0x75: {  	_ =	shalt  }
0x76: {  	_ =	shalt  }
0x77: {  	_ =	shalt  }
0x78: {  	_ =	shalt  }
0x79: {  	_ =	shalt  }
0x7a: {  	_ =	shalt  }
0x7b: {  	_ =	shalt  }
0x7c: {  	_ =	shalt  }
0x7d: {  	_ =	shalt  }
0x7e: {  	_ =	shalt  }
0x7f: {  	_ =	shalt  }
0x80: {  	_ =	shalt  }
0x81: {  	_ =	shalt  }
0x82: {  	_ =	shalt  }
0x83: {  	_ =	shalt  }
0x84: {  	_ =	shalt  }
0x85: {  	_ =	shalt  }
0x86: {  	_ =	shalt  }
0x87: {  	_ =	shalt  }
.Lfunc_end0:
.L_simem_size_0:
called_computation.1_lowered:
.L_overlay_start_0:
0x88: {  	s2 =	sld [smem:$0x3FD9]  }
0x89: {  	s3 =	sld [smem:$0x3FFE];
	_ =	sdelay $0x1  }
0x8a: {  	s1 =	srdreg.scid  }
0x8b: {  	s0 =	sand.u32 $0x1, s1  }
0x8c: {  	s16 =	sshll.u32 s0, $0xA;
	s2 =	sadd.s32 s3, s2  }
0x8d: {  	s2 =	sadd.s32 s2, s16  }
0x8e: {  	[smem:$0x3FBE] =	sst s2  }
0x8f: {  	_ = 	snop  }
0x90: {  	(tm) =	ssettm $0x1  }
0x91: {  	s17 =	sld [smem:$0x3FFB];
	_ =	sdelay $0x3  }
0x92: {  	_ =	strace s17  }
0x93: {  	s2 =	sld [smem:$0x3FFC];
	_ =	sdelay $0x3  }
0x94: {  	_ =	strace s2  }
0x95: {  	s2 =	sld [smem:$0x3FFD];
	_ =	sdelay $0x3  }
0x96: {  	_ =	strace s2  }
0x97: {  	_ =	strace $0x8FFFFFFF  }
0x98: {  	s18 =	sld [smem:$0x3FDB];
	_ =	sdelay $0x1  }
0x99: {  	s19 =	simm.s32 $_scs_section_size  }
0x9a: {  	s4 =	simm.s32 $_size__tile_overlayer_lowered;
	s5 =	simm.s32 $_tile_overlayer_lowered  }
0x9b: {  	s22 =	simm.s32 $0x1BFF;
	s21 =	sshll.u32 s5, $0x1;
	s2 =	sadd.s32 s19, s18  }
0x9c: {  	s6 =	simm.s32 $0x0;
	s20 =	sshll.u32 s4, $0x1;
	s4 =	sadd.s32 s21, s2  }
0x9d: {  	[timem:s6], [sflag:s22] =	dma.local [hbm:s4], s20  }
0x9e: {  	_ =	swait.ge [sflag:s22], s20  }
0x9f: {  	s3 =	ssub.s32 $0x0, s20;
	[sflag:s22] =	ssyncset.done $0x0  }
0xa0: {  	[sflag:s22] =	ssyncadd.s32 s3;
	_ =	sdelay $0x1  }
0xa1: {  	s23 =	simm.s32 $0x1B8B  }
0xa2: {  	_ =	swait.ge [sflag:s23], $0x1  }
0xa3: {  	[sflag:s23] =	ssyncset.done $0x0  }
0xa4: {  	s25 =	simm.s32 $0x1B8E;
	s24 =	sld [smem:$0x3FFE];
	[sflag:s23] =	ssyncadd.s32 $0xFFFFFFFF  }
0xa5: {  	s26 =	simm.s32 $execute0_lowered;
	[smem:$0x3FD2] =	sst s25  }
0xa6: {  	s4 =	sshll.u32 s26, $0x1;
	_ =	strace $0x80000049;
	[dreg:$0x1] =	wrdreg $0xFFFFFFFF  }
0xa7: {  	s28 =	simm.s32 $_size_execute0_lowered;
	s2 =	sadd.s32 s2, s4;
	[dreg:$0x0] =	wrdreg $0x0  }
0xa8: {  	s4 =	sshll.u32 s28, $0x1;
	[dreg:$0x2] =	wrdreg s2  }
0xa9: {  	[dreg:$0x3] =	wrdreg s4  }
0xaa: {  	[dreg:$0x4] =	wrdreg $0xC0  }
0xab: {  	_ =	task [dreg:s6], $0x5FFFF  }
0xac: {  	[dreg:$0x1] =	wrdreg $0xFFFFFFFF  }
0xad: {  	[dreg:$0x0] =	wrdreg $0x60  }
0xae: {  	[dreg:$0x2] =	wrdreg s24  }
0xaf: {  	[dreg:$0x3] =	wrdreg $0x29000  }
0xb0: {  	[dreg:$0x4] =	wrdreg $0x9  }
0xb1: {  	_ =	task.clear_ibuf [dreg:s6], $0x5FFFF;
	_ =	strace $0x90000049  }
0xb2: {  	s29 =	simm.s32 $0x9;
	_ =	strace $0x8000004B  }
0xb3: {  	_ =	swait.ge [sflag:s29], $0x1  }
0xb4: {  	[sflag:s29] =	ssyncadd.s32 $0xFFFFFFFF  }
0xb5: {  	_ =	strace $0x9000004B  }
0xb6: {  	_ =	sfence  }
0xb7: {  	s30 =	sld [smem:$0x0];
	_ =	sdelay $0x2  }
0xb8: {  	s31 =	sshll.u32 s1, $0xD;
	s1 =	sshrl.u32 s1, $0x2  }
0xb9: {  	s3 =	sand.u32 $0x4000, s31;
	s1 =	sadd.s32 s1, s30  }
0xba: {  	s0 =	sor.u32 s3, s0;
	s1 =	sshll.u32 s1, $0x11  }
0xbb: {  	s0 =	sor.u32 s1, s0  }
0xbc: {  	s0 =	sadd.s32 $0x8F2B, s0  }
0xbd: {  	[sflag:s0] =	ssyncadd.remote.s32 $0x1  }
0xbe: {  	_ =	sfence.sel $0xFFFF  }
0xbf: {  	[dreg:$0x0] =	wrdreg $0xFFFFFFFF;
	(pc) =	sbr.abs _section_cstart, $3  }
0xc0: {  	[dreg:$0x1] =	wrdreg $0xFFFFFFFF  }
0xc1: {  	_ =	task.clear_ibuf [dreg:s6], $0x2FFFF;
	_ =	strace $0x9FFFFFFF  }
0xc2: {  	(tm) =	ssettm $0x7FFFFFFF  }
0xc3: {  	_ =	shalt  }
tec
execute0_lowered:
.L_overlay_start_1:
0x0: {  	(tag) =	ssettag $0x1  }
0x1: {  	s1 =	srdreg.scid;
	s6 =	rddreg [dreg:$0x0]  }
0x2: {  	s0 =	stileid.u32;
	s2 =	rddreg [dreg:$0x1]  }
0x3: {  	s3 =	simm.s32 $0x0;
	s13 =	simm.s32 $0x80;
	s4 =	smul.u32 $0x4E20, s0  }
0x4: {  	s14 =	simm.s32 $0x50;
	s15 =	simm.s32 $0x100;
	s8 =	smul.u32 $0x14000, s0  }
0x5: {  	s16 =	simm.s32 $0x1;
	s7 =	sand.u32 $0x1, s1;
	s9 =	smul.u32 $0x50000, s0  }
0x6: {  	s17 =	simm.s32 $0x0;
	s1 =	rddreg [dreg:$0x2];
	s5 =	smul.u32 $0x2710, s7  }
0x7: {  	[smem:$0x7FF] =	sst s3;
	s29 =	smul.u32 $0x140000, s7;
	s7 =	ssub.s32 $0x2, s7  }
0x8: {  	s31 =	sshll.u32 s0, $0x6;
	_ =	strace $0x8000004A;
	s30 =	sshrl.u32 s7, $0x1  }
0x9: {  	s9 =	sshrl.u32 s9, $0x2;
	s4 =	sadd.s32 s5, s4;
	s8 =	sadd.s32 s8, s29  }
0xa: {  	s5 =	sadd.s32 $0x3D200, s6;
	s11 =	ssub.s32 s7, s30;
	s4 =	sshrl.u32 s4, $0x3  }
0xb: {  	s12 =	sadd.s32 s9, s2;
	s8 =	sshrl.u32 s8, $0x3;
	s10 =	sadd.s32 s4, s6  }
0xc: {  	s4 =	sadd.s32 $0x16000, s6;
	s8 =	sadd.s32 s8, s6;
	s6 =	sor.u32 $0x1C02, s31  }
0xd: {  	s7 =	sadd.s32 $0x3FA00, s8;
	s8 =	smax.u32 s11, $0x1;
	s9 =	sadd.s32 $0x2400, s10  }
0xe: {  	s10 =	sadd.s32 $0xC200, s10;
	s11 =	sshrl.u32 s12, $0x3;
	s12 =	simm.s32 $0x2  }
.LBB2_1:
0xf: {  	[spmem:s11], [sflag:s6] =	dma.local [hbm:s5], $0x2800  }
0x10: {  	_ =	swait.ge [sflag:s12], $0x2800  }
0x11: {  	[sflag:s12] =	ssyncset.done $0x0  }
0x12: {  	[sflag:s12] =	ssyncadd.s32 $0xFFFFD800  }
0x13: {  	s18 =	sadd.s32 $0x0, s10;
	[bflag:$0x0] =	sbarrier.arrive $0xFFFF  }
0x14: {  	[tilespmem:s3], [sflag:$0x2] =	stream.linear.gather [hbm4b:s18+s3], $0x50, $0x38;
	[tilespmem:$0x16900] =	vst v63  }
0x15: {  	_ =	swait.ge [sflag:s12], $0x50  }
0x16: {  	[sflag:s12] =	ssyncset.done $0x0  }
0x17: {  	s31 =	sadd.s32 $0x0, s9;
	[sflag:s12] =	ssyncadd.s32 $0xFFFFFFB0  }
0x18: {  	[tilespmem:s13], [sflag:$0x2] =	stream.linear.gather [hbm4b:s31+s3], $0x50, $0x38;
	[tilespmem:$0x16900] =	vst v63  }
0x19: {  	_ =	swait.ge [sflag:s12], $0x50  }
0x1a: {  	[sflag:s12] =	ssyncset.done $0x0  }
0x1b: {  	[sflag:s12] =	ssyncadd.s32 $0xFFFFFFB0  }
0x1c: {  	[tilespmem:s15], [sflag:$0x1] =	stream.indirect.gather [hbm4b:s4+s14], $0x80, s3, s14, $0xb8;
	[tilespmem:$0x16900] =	vst v63  }
0x1d: {  	_ =	swait.ge [sflag:s16], $0x2800  }
0x1e: {  	[sflag:s16] =	ssyncset.done $0x0  }
0x1f: {  	[sflag:s16] =	ssyncadd.s32 $0xFFFFD800  }
0x20: {  	[spmem:s2] =	stream.indirect.scatter.add.f32 [tilespmem:s15], [sflag:$0x2], $0x80, s13, s14, $0xb8;
	[tilespmem:$0x16900] =	vst v63  }
0x21: {  	_ =	swait.ge [sflag:s12], $0x2800  }
0x22: {  	s19 =	simm.s32 $0x14;
	s18 =	simm.s32 $0xA;
	[sflag:s12] =	ssyncset.done $0x0  }
.LBB2_2:
0x23: {  	s20 =	sadd.s32 s18, s10  }
0x24: {  	[sflag:s12] =	ssyncadd.s32 $0xFFFFD800;
	s21 =	smov.u32 s19;
	s22 =	sadd.s32 $0xA, s19  }
0x25: {  	[tilespmem:s3], [sflag:$0x2] =	stream.linear.gather [hbm4b:s20+s3], $0x50, $0x38;
	[tilespmem:$0x16900] =	vst v63  }
0x26: {  	p0 =	sne.s32 s19, $0x4D8;
	_ =	swait.ge [sflag:s12], $0x50  }
0x27: {  	[sflag:s12] =	ssyncset.done $0x0  }
0x28: {  	s19 =	sadd.s32 s18, s9;
	s18 =	smov.u32 s21;
	[sflag:s12] =	ssyncadd.s32 $0xFFFFFFB0  }
0x29: {  	[tilespmem:s13], [sflag:$0x2] =	stream.linear.gather [hbm4b:s19+s3], $0x50, $0x38;
	[tilespmem:$0x16900] =	vst v63  }
0x2a: {  	_ =	swait.ge [sflag:s12], $0x50  }
0x2b: {  	[sflag:s12] =	ssyncset.done $0x0  }
0x2c: {  	[sflag:s12] =	ssyncadd.s32 $0xFFFFFFB0  }
0x2d: {  	[tilespmem:s15], [sflag:$0x1] =	stream.indirect.gather [hbm4b:s4+s14], $0x80, s3, s14, $0xb8;
	[tilespmem:$0x16900] =	vst v63  }
0x2e: {  	_ =	swait.ge [sflag:s16], $0x2800  }
.Ltmp0:
0x2f: {  	[sflag:s16] =	ssyncset.done $0x0;
	(pc) =	sbr.rel @p0 .LBB2_2-.Ltmp0, $4  }
0x30: {  	[sflag:s16] =	ssyncadd.s32 $0xFFFFD800  }
0x31: {  	[spmem:s2] =	stream.indirect.scatter.add.f32 [tilespmem:s15], [sflag:$0x2], $0x80, s13, s14, $0xb8;
	[tilespmem:$0x16900] =	vst v63  }
0x32: {  	_ =	swait.ge [sflag:s12], $0x2800  }
0x33: {  	s19 =	smov.u32 s22;
	[sflag:s12] =	ssyncset.done $0x0  }
0x34: {  	s19 =	sadd.s32 s18, s10;
	[sflag:s12] =	ssyncadd.s32 $0xFFFFD800  }
0x35: {  	[tilespmem:s3], [sflag:$0x2] =	stream.linear.gather [hbm4b:s19+s3], $0x50, $0x38;
	[tilespmem:$0x16900] =	vst v63  }
0x36: {  	_ =	swait.ge [sflag:s12], $0x50  }
0x37: {  	[sflag:s12] =	ssyncset.done $0x0  }
0x38: {  	s31 =	sadd.s32 s18, s9;
	[sflag:s12] =	ssyncadd.s32 $0xFFFFFFB0  }
0x39: {  	[tilespmem:s13], [sflag:$0x2] =	stream.linear.gather [hbm4b:s31+s3], $0x50, $0x38;
	[tilespmem:$0x16900] =	vst v63  }
0x3a: {  	_ =	swait.ge [sflag:s12], $0x50  }
0x3b: {  	[sflag:s12] =	ssyncset.done $0x0  }
0x3c: {  	[sflag:s12] =	ssyncadd.s32 $0xFFFFFFB0  }
0x3d: {  	[tilespmem:s15], [sflag:$0x1] =	stream.indirect.gather [hbm4b:s4+s14], $0x80, s3, s14, $0xb8;
	[tilespmem:$0x16900] =	vst v63  }
0x3e: {  	_ =	swait.ge [sflag:s16], $0x2800  }
0x3f: {  	[sflag:s16] =	ssyncset.done $0x0  }
0x40: {  	[sflag:s16] =	ssyncadd.s32 $0xFFFFD800  }
0x41: {  	[spmem:s2] =	stream.indirect.scatter.add.f32 [tilespmem:s15], [sflag:$0x2], $0x80, s13, s14, $0xb8;
	[tilespmem:$0x16900] =	vst v63  }
0x42: {  	_ =	swait.ge [sflag:s12], $0x2800  }
0x43: {  	s17 =	sadd.s32 $0x1, s17;
	[sflag:s12] =	ssyncset.done $0x0  }
0x44: {  	p0 =	sne.s32 s17, s8;
	[sflag:s12] =	ssyncadd.s32 $0xFFFFD800  }
.Ltmp1:
0x45: {  	[bflag:$0x0] =	sbarrier.arrive $0xFFFF;
	(pc) =	sbr.rel @p0 .LBB2_1-.Ltmp1, $4  }
0x46: {  	[hbm:s7], [sflag:s6] =	dma.local [spmem:s11], $0x2800  }
0x47: {  	_ =	swait.ge [sflag:s12], $0x2800  }
0x48: {  	[sflag:s12] =	ssyncset.done $0x0  }
0x49: {  	[sflag:s12] =	ssyncadd.s32 $0xFFFFD800  }
0x4a: {  	_ =	sfence.sel $0x180000  }
0x4b: {  	[bflag:$0x0] =	sbarrier.arrive $0xFFFF  }
0x4c: {  	p0 =	sne.s32 s0, $0x0;
	_ =	strace $0x9000004A  }
0x4d: {  	s0 =	sadd.s32 @!p0 $0x100000, s1;
	[bflag:$0x2] =	sbarrier.arrive $0xFFFF  }
0x4e: {  	[sflag:s0] =	ssyncadd.tile.s32 @!p0 $0x1;
	_ =	shalt  }
.Lfunc_end2:
_tile_overlayer_lowered:
.L_overlay_start_2:
0x4f: {  	(tag) =	ssettag $0x2  }
0x50: {  	s0 =	rddreg [dreg:$0x0];
	s2 =	stileid.u32  }
0x51: {  	s1 =	rddreg [dreg:$0x1];
	p0 =	sne.s32 s2, $0x0  }
0x52: {  	s3 =	rddreg [dreg:$0x2];
	[bflag:$0x3] =	sbarrier.arrive $0xFFFF;
	s2 =	simm.s32 @!p0 $0x1C02  }
0x53: {  	[timem:s3], [sflag:s2] =	dma.local @!p0 [hbm:s0], s1  }
0x54: {  	s0 =	simm.s32 @!p0 $0x2  }
0x55: {  	_ =	swait.ge @!p0 [sflag:s0], s1  }
0x56: {  	s1 =	ssub.s32 @!p0 $0x0, s1;
	[sflag:s0] =	ssyncset.done @!p0 $0x0  }
0x57: {  	[sflag:s0] =	ssyncadd.s32 @!p0 s1  }
0x58: {  	[bflag:$0x3] =	sbarrier.arrive $0xFFFF  }
0x59: {  	_ =	shalt  }

</sc_bundles>
